<compile_context>
chip_gen: v7x
topology: tpu7x:2x2x1
jax: 0.10.2.dev20260603
libtpu: 0.0.44.dev20260713+nightly
codegen_flags: <defaults>
</compile_context>

<pallas_src>
import functools

import jax
import jax.numpy as jnp
from jax import lax
from jax.experimental import pallas as pl
from jax.experimental.pallas import tpu as pltpu
from jax.experimental.pallas import tpu_sc as plsc

_VOCAB = 1000000
_COL = 64
_PAD = 128
_BATCH = 4096
_SEQ = 200

_N = _BATCH * _SEQ
_NW = 32
_ROWS_W = _BATCH // _NW
_PER_W = _ROWS_W * _SEQ
_S1 = 128
_S2 = _SEQ - _S1
_NBUF = 4
_NJ = _ROWS_W * 2
_ITERS = _NJ // _NBUF


def _gather_body(table_hbm, x_hbm, out_hbm, idx_v, *scratch):
    bufs = scratch[:_NBUF]
    gsems = scratch[_NBUF:2 * _NBUF]
    wsems = scratch[2 * _NBUF:]

    wid = lax.axis_index("s") * 2 + lax.axis_index("c")
    rbase = wid * _ROWS_W
    base = wid * _PER_W
    pltpu.sync_copy(x_hbm.at[pl.ds(rbase, _ROWS_W)], idx_v)

    def _sz(b):
        return (_S1, 0) if b % 2 == 0 else (_S2, _S1)

    def gstart(j, b):
        size, off = _sz(b)
        r = j // 2
        pltpu.async_copy(
            table_hbm.at[idx_v.at[r, pl.ds(off, size)]], bufs[b], gsems[b]
        )

    def gwait(j, b):
        size, off = _sz(b)
        r = j // 2
        pltpu.make_async_copy(
            table_hbm.at[idx_v.at[r, pl.ds(off, size)]], bufs[b], gsems[b]
        ).wait()

    def wstart(j, b):
        size, off = _sz(b)
        r = j // 2
        pltpu.async_copy(
            bufs[b],
            out_hbm.at[pl.ds(base + r * _SEQ + off, size), pl.ds(0, _COL)],
            wsems[b],
        )

    def wwait(j, b):
        size, off = _sz(b)
        r = j // 2
        pltpu.make_async_copy(
            bufs[b],
            out_hbm.at[pl.ds(base + r * _SEQ + off, size), pl.ds(0, _COL)],
            wsems[b],
        ).wait()

    for b in range(_NBUF):
        gstart(b, b)

    def body(it, _):
        for b in range(_NBUF):
            j = it * _NBUF + b
            gwait(j, b)
            wstart(j, b)

            @pl.when(it + 1 < _ITERS)
            def _():
                wwait(j, b)
                gstart(j + _NBUF, b)

        return 0

    lax.fori_loop(0, _ITERS, body, 0)

    for b in range(_NBUF):
        wwait((_ITERS - 1) * _NBUF + b, b)


def kernel(x, embed_weight):
    xi = x.astype(jnp.int32)
    mesh = plsc.VectorSubcoreMesh(core_axis_name="c", subcore_axis_name="s")

    gather = functools.partial(
        pl.kernel,
        mesh=mesh,
        out_type=jax.ShapeDtypeStruct((_N, _PAD), jnp.float32),
        scratch_types=(
            [pltpu.VMEM((_ROWS_W, _SEQ), jnp.int32)]
            + [
                pltpu.VMEM((_S1 if b % 2 == 0 else _S2, _COL), jnp.float32)
                for b in range(_NBUF)
            ]
            + [pltpu.SemaphoreType.DMA for _ in range(2 * _NBUF)]
        ),
        compiler_params=pltpu.CompilerParams(use_tc_tiling_on_sc=False),
    )(_gather_body)

    out = gather(embed_weight, xi)
    return out[:, :_COL].reshape(_BATCH, _SEQ, _COL)

# --- scband reference (transcript-rebuilt; emitter-appended) ---
"""Pipeline reference for scband-glove-2448131359305 (READ-ONLY COPY).

The authoritative reference and input builder live on the scoring server;
editing this copy changes nothing except your own understanding.
"""

import jax, jax.numpy as jnp
import numpy as np

VOCAB = 1000000
COL = 64
BATCH = 4096
SEQ = 200

def setup_inputs(seed: int = 0) -> dict:
    key = jax.random.key(seed)
    k1, k2 = jax.random.split(key)
    x = jax.random.randint(k1, (BATCH, SEQ), 0, VOCAB, dtype=jnp.int64 if jax.config.jax_enable_x64 else jnp.int32)
    # learned embedding table (Embedder.embed.weight), pretrained-copied in the original
    embed_weight = jax.random.normal(k2, (VOCAB, COL), dtype=jnp.float32) * 0.02
    return {"x": x, "embed_weight": embed_weight}

def reference(x, embed_weight):
    # Glove.forward -> Embedder(x): embedding lookup (dropout is identity in eval mode)
    out = jnp.take(embed_weight, x, axis=0)
    return out

if __name__ == "__main__":
    import jax
    _d = setup_inputs()
    print(jax.jit(kernel)(*tuple(_d.values())))

</pallas_src>

<mosaic_0001>
#map = affine_map<(d0, d1) -> (0, 0)>
module attributes {stable_mosaic.version = 14 : i64} {
  func.func @_gather_body(%arg0: i32, %arg1: i32, %arg2: memref<1000000x64xf32, #tpu.memory_space<hbm>>, %arg3: memref<4096x200xi32, #tpu.memory_space<hbm>>, %arg4: memref<819200x128xf32, #tpu.memory_space<hbm>>, %arg5: memref<128x200xi32, #tpu.memory_space<vmem>>, %arg6: memref<128x64xf32, #tpu.memory_space<vmem>>, %arg7: memref<72x64xf32, #tpu.memory_space<vmem>>, %arg8: memref<128x64xf32, #tpu.memory_space<vmem>>, %arg9: memref<72x64xf32, #tpu.memory_space<vmem>>, %arg10: memref<!tpu.dma_semaphore, #tpu.memory_space<semaphore_mem>>, %arg11: memref<!tpu.dma_semaphore, #tpu.memory_space<semaphore_mem>>, %arg12: memref<!tpu.dma_semaphore, #tpu.memory_space<semaphore_mem>>, %arg13: memref<!tpu.dma_semaphore, #tpu.memory_space<semaphore_mem>>, %arg14: memref<!tpu.dma_semaphore, #tpu.memory_space<semaphore_mem>>, %arg15: memref<!tpu.dma_semaphore, #tpu.memory_space<semaphore_mem>>, %arg16: memref<!tpu.dma_semaphore, #tpu.memory_space<semaphore_mem>>, %arg17: memref<!tpu.dma_semaphore, #tpu.memory_space<semaphore_mem>>) attributes {dimension_semantics = [#tpu.dimension_semantics<core_parallel>, #tpu.dimension_semantics<subcore_parallel>], iteration_bounds = array<i64: 2, 16>, scalar_prefetch = 0 : i64, scratch_operands = 13 : i64, tpu.core_type = #tpu.core_type<sc_vector_subcore>, window_params = [{transform_indices = #map}, {transform_indices = #map}, {transform_indices = #map}]} {
    %mul3A = arith.constant 2 : i32
    %mul3A_0 = arith.muli %arg1, %mul3A : i32
    %add3A = arith.addi %mul3A_0, %arg0 : i32
    %mul3A_1 = arith.constant 128 : i32
    %mul3A_2 = arith.muli %add3A, %mul3A_1 : i32
    %mul3A_3 = arith.constant 25600 : i32
    %mul3A_4 = arith.muli %add3A, %mul3A_3 : i32
    "tpu.region"() ({
      %run_scoped3A = tpu.sem_alloc : memref<!tpu.dma_semaphore, #tpu.memory_space<semaphore_mem>>
      %dma_start3A_69 = arith.constant 0 : i32
      %dma_start3A_70 = tpu.memref_slice %arg3[%mul3A_2, %dma_start3A_69] : memref<4096x200xi32, #tpu.memory_space<hbm>> -> memref<128x200xi32, #tpu.memory_space<hbm>>
      %dma_start3A_71 = arith.constant 0 : i32
      %dma_start3A_72 = tpu.memref_slice %arg3[%mul3A_2, %dma_start3A_71] : memref<4096x200xi32, #tpu.memory_space<hbm>> -> memref<128x200xi32, #tpu.memory_space<hbm>>
      tpu.enqueue_dma source(%dma_start3A_72 : memref<128x200xi32, #tpu.memory_space<hbm>>) target(%arg5 : memref<128x200xi32, #tpu.memory_space<vmem>>) target_semaphore(%run_scoped3A : memref<!tpu.dma_semaphore, #tpu.memory_space<semaphore_mem>>)
      %dma_wait3A_73 = arith.constant 0 : i32
      %dma_wait3A_74 = tpu.memref_slice %arg3[%mul3A_2, %dma_wait3A_73] : memref<4096x200xi32, #tpu.memory_space<hbm>> -> memref<128x200xi32, #tpu.memory_space<hbm>>
      %dma_wait3A_75 = arith.constant 0 : i32
      %dma_wait3A_76 = tpu.memref_slice %arg3[%mul3A_2, %dma_wait3A_75] : memref<4096x200xi32, #tpu.memory_space<hbm>> -> memref<128x200xi32, #tpu.memory_space<hbm>>
      tpu.wait_dma2 semaphore(%run_scoped3A : memref<!tpu.dma_semaphore, #tpu.memory_space<semaphore_mem>>) src(%dma_wait3A_76 : memref<128x200xi32, #tpu.memory_space<hbm>>) dst(%arg5 : memref<128x200xi32, #tpu.memory_space<vmem>>)
      tpu.yield
    }) : () -> ()
    %dma_start3A = arith.constant 0 : i32
    %dma_start3A_5 = arith.constant 0 : i32
    %dma_start3A_6 = tpu.memref_slice %arg5[%dma_start3A, %dma_start3A_5] : memref<128x200xi32, #tpu.memory_space<vmem>> -> memref<1x128xi32, #tpu.memory_space<vmem>>
    %dma_start3A_7 = tpu.memref_squeeze %dma_start3A_6 : memref<1x128xi32, #tpu.memory_space<vmem>> -> memref<128xi32, #tpu.memory_space<vmem>>
    %dma_start3A_8 = arith.constant 0 : i32
    %dma_start3A_9 = arith.constant 0 : i32
    %dma_start3A_10 = tpu.memref_slice %arg2[%dma_start3A_8, %dma_start3A_9] : memref<1000000x64xf32, #tpu.memory_space<hbm>> -> memref<1000000x64xf32, #tpu.memory_space<hbm>>
    tpu.enqueue_indirect_dma source(%dma_start3A_10 : memref<1000000x64xf32, #tpu.memory_space<hbm>>) target(%arg6 : memref<128x64xf32, #tpu.memory_space<vmem>>) offsets(%dma_start3A_7 : memref<128xi32, #tpu.memory_space<vmem>>) semaphore(%arg10 : memref<!tpu.dma_semaphore, #tpu.memory_space<semaphore_mem>>)
    %dma_start3A_11 = arith.constant 0 : i32
    %dma_start3A_12 = arith.constant 128 : i32
    %dma_start3A_13 = tpu.memref_slice %arg5[%dma_start3A_11, %dma_start3A_12] : memref<128x200xi32, #tpu.memory_space<vmem>> -> memref<1x72xi32, #tpu.memory_space<vmem>>
    %dma_start3A_14 = tpu.memref_squeeze %dma_start3A_13 : memref<1x72xi32, #tpu.memory_space<vmem>> -> memref<72xi32, #tpu.memory_space<vmem>>
    %dma_start3A_15 = arith.constant 0 : i32
    %dma_start3A_16 = arith.constant 0 : i32
    %dma_start3A_17 = tpu.memref_slice %arg2[%dma_start3A_15, %dma_start3A_16] : memref<1000000x64xf32, #tpu.memory_space<hbm>> -> memref<1000000x64xf32, #tpu.memory_space<hbm>>
    tpu.enqueue_indirect_dma source(%dma_start3A_17 : memref<1000000x64xf32, #tpu.memory_space<hbm>>) target(%arg7 : memref<72x64xf32, #tpu.memory_space<vmem>>) offsets(%dma_start3A_14 : memref<72xi32, #tpu.memory_space<vmem>>) semaphore(%arg11 : memref<!tpu.dma_semaphore, #tpu.memory_space<semaphore_mem>>)
    %dma_start3A_18 = arith.constant 1 : i32
    %dma_start3A_19 = arith.constant 0 : i32
    %dma_start3A_20 = tpu.memref_slice %arg5[%dma_start3A_18, %dma_start3A_19] : memref<128x200xi32, #tpu.memory_space<vmem>> -> memref<1x128xi32, #tpu.memory_space<vmem>>
    %dma_start3A_21 = tpu.memref_squeeze %dma_start3A_20 : memref<1x128xi32, #tpu.memory_space<vmem>> -> memref<128xi32, #tpu.memory_space<vmem>>
    %dma_start3A_22 = arith.constant 0 : i32
    %dma_start3A_23 = arith.constant 0 : i32
    %dma_start3A_24 = tpu.memref_slice %arg2[%dma_start3A_22, %dma_start3A_23] : memref<1000000x64xf32, #tpu.memory_space<hbm>> -> memref<1000000x64xf32, #tpu.memory_space<hbm>>
    tpu.enqueue_indirect_dma source(%dma_start3A_24 : memref<1000000x64xf32, #tpu.memory_space<hbm>>) target(%arg8 : memref<128x64xf32, #tpu.memory_space<vmem>>) offsets(%dma_start3A_21 : memref<128xi32, #tpu.memory_space<vmem>>) semaphore(%arg12 : memref<!tpu.dma_semaphore, #tpu.memory_space<semaphore_mem>>)
    %dma_start3A_25 = arith.constant 1 : i32
    %dma_start3A_26 = arith.constant 128 : i32
    %dma_start3A_27 = tpu.memref_slice %arg5[%dma_start3A_25, %dma_start3A_26] : memref<128x200xi32, #tpu.memory_space<vmem>> -> memref<1x72xi32, #tpu.memory_space<vmem>>
    %dma_start3A_28 = tpu.memref_squeeze %dma_start3A_27 : memref<1x72xi32, #tpu.memory_space<vmem>> -> memref<72xi32, #tpu.memory_space<vmem>>
    %dma_start3A_29 = arith.constant 0 : i32
    %dma_start3A_30 = arith.constant 0 : i32
    %dma_start3A_31 = tpu.memref_slice %arg2[%dma_start3A_29, %dma_start3A_30] : memref<1000000x64xf32, #tpu.memory_space<hbm>> -> memref<1000000x64xf32, #tpu.memory_space<hbm>>
    tpu.enqueue_indirect_dma source(%dma_start3A_31 : memref<1000000x64xf32, #tpu.memory_space<hbm>>) target(%arg9 : memref<72x64xf32, #tpu.memory_space<vmem>>) offsets(%dma_start3A_28 : memref<72xi32, #tpu.memory_space<vmem>>) semaphore(%arg13 : memref<!tpu.dma_semaphore, #tpu.memory_space<semaphore_mem>>)
    %scan3A = arith.constant 0 : i32
    %scan3A_32 = arith.constant 0 : i32
    %scan3A_33 = arith.constant 64 : i32
    %scan3A_34 = arith.addi %scan3A_32, %scan3A_33 : i32
    %scan3A_35 = arith.constant 1 : i32
    %scan3A_36 = scf.for %scan3A_69 = %scan3A_32 to %scan3A_34 step %scan3A_35 iter_args(%scan3A_70 = %scan3A) -> (i32)  : i32 {
      %mul3A_71 = arith.constant 4 : i32
      %mul3A_72 = arith.muli %scan3A_69, %mul3A_71 : i32
      %add3A_73 = arith.constant 0 : i32
      %add3A_74 = arith.addi %mul3A_72, %add3A_73 : i32
      %jit3A = arith.constant 2 : i32
      %div3A = arith.divsi %add3A_74, %jit3A : i32
      %sign3A = arith.constant 0 : i32
      %sign3A_75 = arith.cmpi sgt, %add3A_74, %sign3A : i32
      %sign3A_76 = arith.extui %sign3A_75 : i1 to i32
      %sign3A_77 = arith.constant 0 : i32
      %sign3A_78 = arith.cmpi slt, %add3A_74, %sign3A_77 : i32
      %sign3A_79 = arith.extui %sign3A_78 : i1 to i32
      %sign3A_80 = arith.subi %sign3A_76, %sign3A_79 : i32
      %sign3A_81 = arith.constant 0 : i32
      %sign3A_82 = arith.cmpi sgt, %jit3A, %sign3A_81 : i32
      %sign3A_83 = arith.extui %sign3A_82 : i1 to i32
      %sign3A_84 = arith.constant 0 : i32
      %sign3A_85 = arith.cmpi slt, %jit3A, %sign3A_84 : i32
      %sign3A_86 = arith.extui %sign3A_85 : i1 to i32
      %sign3A_87 = arith.subi %sign3A_83, %sign3A_86 : i32
      %ne3A = arith.cmpi ne, %sign3A_80, %sign3A_87 : i32
      %rem3A = arith.remsi %add3A_74, %jit3A : i32
      %ne3A_88 = arith.constant 0 : i32
      %ne3A_89 = arith.cmpi ne, %rem3A, %ne3A_88 : i32
      %and3A = arith.andi %ne3A, %ne3A_89 : i1
      %sub3A = arith.constant 1 : i32
      %sub3A_90 = arith.subi %div3A, %sub3A : i32
      %select_n3A = arith.select %and3A, %sub3A_90, %div3A : i32
      %dma_wait3A_91 = arith.constant 0 : i32
      %dma_wait3A_92 = tpu.memref_slice %arg5[%select_n3A, %dma_wait3A_91] : memref<128x200xi32, #tpu.memory_space<vmem>> -> memref<1x128xi32, #tpu.memory_space<vmem>>
      %dma_wait3A_93 = tpu.memref_squeeze %dma_wait3A_92 : memref<1x128xi32, #tpu.memory_space<vmem>> -> memref<128xi32, #tpu.memory_space<vmem>>
      %dma_wait3A_94 = arith.constant 0 : i32
      %dma_wait3A_95 = arith.constant 0 : i32
      %dma_wait3A_96 = tpu.memref_slice %arg2[%dma_wait3A_94, %dma_wait3A_95] : memref<1000000x64xf32, #tpu.memory_space<hbm>> -> memref<1000000x64xf32, #tpu.memory_space<hbm>>
      tpu.wait_indirect_dma semaphore(%arg10 : memref<!tpu.dma_semaphore, #tpu.memory_space<semaphore_mem>>) src(%dma_wait3A_96 : memref<1000000x64xf32, #tpu.memory_space<hbm>>) dst(%arg6 : memref<128x64xf32, #tpu.memory_space<vmem>>)
      %jit3A_97 = arith.constant 2 : i32
      %div3A_98 = arith.divsi %add3A_74, %jit3A_97 : i32
      %sign3A_99 = arith.constant 0 : i32
      %sign3A_100 = arith.cmpi sgt, %add3A_74, %sign3A_99 : i32
      %sign3A_101 = arith.extui %sign3A_100 : i1 to i32
      %sign3A_102 = arith.constant 0 : i32
      %sign3A_103 = arith.cmpi slt, %add3A_74, %sign3A_102 : i32
      %sign3A_104 = arith.extui %sign3A_103 : i1 to i32
      %sign3A_105 = arith.subi %sign3A_101, %sign3A_104 : i32
      %sign3A_106 = arith.constant 0 : i32
      %sign3A_107 = arith.cmpi sgt, %jit3A_97, %sign3A_106 : i32
      %sign3A_108 = arith.extui %sign3A_107 : i1 to i32
      %sign3A_109 = arith.constant 0 : i32
      %sign3A_110 = arith.cmpi slt, %jit3A_97, %sign3A_109 : i32
      %sign3A_111 = arith.extui %sign3A_110 : i1 to i32
      %sign3A_112 = arith.subi %sign3A_108, %sign3A_111 : i32
      %ne3A_113 = arith.cmpi ne, %sign3A_105, %sign3A_112 : i32
      %rem3A_114 = arith.remsi %add3A_74, %jit3A_97 : i32
      %ne3A_115 = arith.constant 0 : i32
      %ne3A_116 = arith.cmpi ne, %rem3A_114, %ne3A_115 : i32
      %and3A_117 = arith.andi %ne3A_113, %ne3A_116 : i1
      %sub3A_118 = arith.constant 1 : i32
      %sub3A_119 = arith.subi %div3A_98, %sub3A_118 : i32
      %select_n3A_120 = arith.select %and3A_117, %sub3A_119, %div3A_98 : i32
      %mul3A_121 = arith.constant 200 : i32
      %mul3A_122 = arith.muli %select_n3A_120, %mul3A_121 : i32
      %add3A_123 = arith.addi %mul3A_4, %mul3A_122 : i32
      %add3A_124 = arith.constant 0 : i32
      %add3A_125 = arith.addi %add3A_123, %add3A_124 : i32
      %dma_start3A_126 = arith.constant 0 : i32
      %dma_start3A_127 = tpu.memref_slice %arg4[%add3A_125, %dma_start3A_126] : memref<819200x128xf32, #tpu.memory_space<hbm>> -> memref<128x64xf32, #tpu.memory_space<hbm>>
      %dma_start3A_128 = arith.constant 0 : i32
      %dma_start3A_129 = tpu.memref_slice %arg4[%add3A_125, %dma_start3A_128] : memref<819200x128xf32, #tpu.memory_space<hbm>> -> memref<128x64xf32, #tpu.memory_space<hbm>>
      tpu.enqueue_dma source(%arg6 : memref<128x64xf32, #tpu.memory_space<vmem>>) target(%dma_start3A_129 : memref<128x64xf32, #tpu.memory_space<hbm>>) target_semaphore(%arg14 : memref<!tpu.dma_semaphore, #tpu.memory_space<semaphore_mem>>)
      %add3A_130 = arith.constant 1 : i32
      %add3A_131 = arith.addi %scan3A_69, %add3A_130 : i32
      %lt3A = arith.constant 64 : i32
      %lt3A_132 = arith.cmpi slt, %add3A_131, %lt3A : i32
      %convert_element_type3A = arith.extui %lt3A_132 : i1 to i32
      %cond3A = arith.constant 0 : i32
      %cond3A_133 = arith.cmpi ne, %convert_element_type3A, %cond3A : i32
      scf.if %cond3A_133 {
        %jit3A_357 = arith.constant 2 : i32
        %div3A_358 = arith.divsi %add3A_74, %jit3A_357 : i32
        %sign3A_359 = arith.constant 0 : i32
        %sign3A_360 = arith.cmpi sgt, %add3A_74, %sign3A_359 : i32
        %sign3A_361 = arith.extui %sign3A_360 : i1 to i32
        %sign3A_362 = arith.constant 0 : i32
        %sign3A_363 = arith.cmpi slt, %add3A_74, %sign3A_362 : i32
        %sign3A_364 = arith.extui %sign3A_363 : i1 to i32
        %sign3A_365 = arith.subi %sign3A_361, %sign3A_364 : i32
        %sign3A_366 = arith.constant 0 : i32
        %sign3A_367 = arith.cmpi sgt, %jit3A_357, %sign3A_366 : i32
        %sign3A_368 = arith.extui %sign3A_367 : i1 to i32
        %sign3A_369 = arith.constant 0 : i32
        %sign3A_370 = arith.cmpi slt, %jit3A_357, %sign3A_369 : i32
        %sign3A_371 = arith.extui %sign3A_370 : i1 to i32
        %sign3A_372 = arith.subi %sign3A_368, %sign3A_371 : i32
        %ne3A_373 = arith.cmpi ne, %sign3A_365, %sign3A_372 : i32
        %rem3A_374 = arith.remsi %add3A_74, %jit3A_357 : i32
        %ne3A_375 = arith.constant 0 : i32
        %ne3A_376 = arith.cmpi ne, %rem3A_374, %ne3A_375 : i32
        %and3A_377 = arith.andi %ne3A_373, %ne3A_376 : i1
        %sub3A_378 = arith.constant 1 : i32
        %sub3A_379 = arith.subi %div3A_358, %sub3A_378 : i32
        %select_n3A_380 = arith.select %and3A_377, %sub3A_379, %div3A_358 : i32
        %mul3A_381 = arith.constant 200 : i32
        %mul3A_382 = arith.muli %select_n3A_380, %mul3A_381 : i32
        %add3A_383 = arith.addi %mul3A_4, %mul3A_382 : i32
        %add3A_384 = arith.constant 0 : i32
        %add3A_385 = arith.addi %add3A_383, %add3A_384 : i32
        %dma_wait3A_386 = arith.constant 0 : i32
        %dma_wait3A_387 = tpu.memref_slice %arg4[%add3A_385, %dma_wait3A_386] : memref<819200x128xf32, #tpu.memory_space<hbm>> -> memref<128x64xf32, #tpu.memory_space<hbm>>
        %dma_wait3A_388 = arith.constant 0 : i32
        %dma_wait3A_389 = tpu.memref_slice %arg4[%add3A_385, %dma_wait3A_388] : memref<819200x128xf32, #tpu.memory_space<hbm>> -> memref<128x64xf32, #tpu.memory_space<hbm>>
        tpu.wait_dma2 semaphore(%arg14 : memref<!tpu.dma_semaphore, #tpu.memory_space<semaphore_mem>>) src(%arg6 : memref<128x64xf32, #tpu.memory_space<vmem>>) dst(%dma_wait3A_389 : memref<128x64xf32, #tpu.memory_space<hbm>>)
        %add3A_390 = arith.constant 4 : i32
        %add3A_391 = arith.addi %add3A_74, %add3A_390 : i32
        %jit3A_392 = arith.constant 2 : i32
        %div3A_393 = arith.divsi %add3A_391, %jit3A_392 : i32
        %sign3A_394 = arith.constant 0 : i32
        %sign3A_395 = arith.cmpi sgt, %add3A_391, %sign3A_394 : i32
        %sign3A_396 = arith.extui %sign3A_395 : i1 to i32
        %sign3A_397 = arith.constant 0 : i32
        %sign3A_398 = arith.cmpi slt, %add3A_391, %sign3A_397 : i32
        %sign3A_399 = arith.extui %sign3A_398 : i1 to i32
        %sign3A_400 = arith.subi %sign3A_396, %sign3A_399 : i32
        %sign3A_401 = arith.constant 0 : i32
        %sign3A_402 = arith.cmpi sgt, %jit3A_392, %sign3A_401 : i32
        %sign3A_403 = arith.extui %sign3A_402 : i1 to i32
        %sign3A_404 = arith.constant 0 : i32
        %sign3A_405 = arith.cmpi slt, %jit3A_392, %sign3A_404 : i32
        %sign3A_406 = arith.extui %sign3A_405 : i1 to i32
        %sign3A_407 = arith.subi %sign3A_403, %sign3A_406 : i32
        %ne3A_408 = arith.cmpi ne, %sign3A_400, %sign3A_407 : i32
        %rem3A_409 = arith.remsi %add3A_391, %jit3A_392 : i32
        %ne3A_410 = arith.constant 0 : i32
        %ne3A_411 = arith.cmpi ne, %rem3A_409, %ne3A_410 : i32
        %and3A_412 = arith.andi %ne3A_408, %ne3A_411 : i1
        %sub3A_413 = arith.constant 1 : i32
        %sub3A_414 = arith.subi %div3A_393, %sub3A_413 : i32
        %select_n3A_415 = arith.select %and3A_412, %sub3A_414, %div3A_393 : i32
        %dma_start3A_416 = arith.constant 0 : i32
        %dma_start3A_417 = tpu.memref_slice %arg5[%select_n3A_415, %dma_start3A_416] : memref<128x200xi32, #tpu.memory_space<vmem>> -> memref<1x128xi32, #tpu.memory_space<vmem>>
        %dma_start3A_418 = tpu.memref_squeeze %dma_start3A_417 : memref<1x128xi32, #tpu.memory_space<vmem>> -> memref<128xi32, #tpu.memory_space<vmem>>
        %dma_start3A_419 = arith.constant 0 : i32
        %dma_start3A_420 = arith.constant 0 : i32
        %dma_start3A_421 = tpu.memref_slice %arg2[%dma_start3A_419, %dma_start3A_420] : memref<1000000x64xf32, #tpu.memory_space<hbm>> -> memref<1000000x64xf32, #tpu.memory_space<hbm>>
        tpu.enqueue_indirect_dma source(%dma_start3A_421 : memref<1000000x64xf32, #tpu.memory_space<hbm>>) target(%arg6 : memref<128x64xf32, #tpu.memory_space<vmem>>) offsets(%dma_start3A_418 : memref<128xi32, #tpu.memory_space<vmem>>) semaphore(%arg10 : memref<!tpu.dma_semaphore, #tpu.memory_space<semaphore_mem>>)
      } else {
      }
      %mul3A_134 = arith.constant 4 : i32
      %mul3A_135 = arith.muli %scan3A_69, %mul3A_134 : i32
      %add3A_136 = arith.constant 1 : i32
      %add3A_137 = arith.addi %mul3A_135, %add3A_136 : i32
      %jit3A_138 = arith.constant 2 : i32
      %div3A_139 = arith.divsi %add3A_137, %jit3A_138 : i32
      %sign3A_140 = arith.constant 0 : i32
      %sign3A_141 = arith.cmpi sgt, %add3A_137, %sign3A_140 : i32
      %sign3A_142 = arith.extui %sign3A_141 : i1 to i32
      %sign3A_143 = arith.constant 0 : i32
      %sign3A_144 = arith.cmpi slt, %add3A_137, %sign3A_143 : i32
      %sign3A_145 = arith.extui %sign3A_144 : i1 to i32
      %sign3A_146 = arith.subi %sign3A_142, %sign3A_145 : i32
      %sign3A_147 = arith.constant 0 : i32
      %sign3A_148 = arith.cmpi sgt, %jit3A_138, %sign3A_147 : i32
      %sign3A_149 = arith.extui %sign3A_148 : i1 to i32
      %sign3A_150 = arith.constant 0 : i32
      %sign3A_151 = arith.cmpi slt, %jit3A_138, %sign3A_150 : i32
      %sign3A_152 = arith.extui %sign3A_151 : i1 to i32
      %sign3A_153 = arith.subi %sign3A_149, %sign3A_152 : i32
      %ne3A_154 = arith.cmpi ne, %sign3A_146, %sign3A_153 : i32
      %rem3A_155 = arith.remsi %add3A_137, %jit3A_138 : i32
      %ne3A_156 = arith.constant 0 : i32
      %ne3A_157 = arith.cmpi ne, %rem3A_155, %ne3A_156 : i32
      %and3A_158 = arith.andi %ne3A_154, %ne3A_157 : i1
      %sub3A_159 = arith.constant 1 : i32
      %sub3A_160 = arith.subi %div3A_139, %sub3A_159 : i32
      %select_n3A_161 = arith.select %and3A_158, %sub3A_160, %div3A_139 : i32
      %dma_wait3A_162 = arith.constant 128 : i32
      %dma_wait3A_163 = tpu.memref_slice %arg5[%select_n3A_161, %dma_wait3A_162] : memref<128x200xi32, #tpu.memory_space<vmem>> -> memref<1x72xi32, #tpu.memory_space<vmem>>
      %dma_wait3A_164 = tpu.memref_squeeze %dma_wait3A_163 : memref<1x72xi32, #tpu.memory_space<vmem>> -> memref<72xi32, #tpu.memory_space<vmem>>
      %dma_wait3A_165 = arith.constant 0 : i32
      %dma_wait3A_166 = arith.constant 0 : i32
      %dma_wait3A_167 = tpu.memref_slice %arg2[%dma_wait3A_165, %dma_wait3A_166] : memref<1000000x64xf32, #tpu.memory_space<hbm>> -> memref<1000000x64xf32, #tpu.memory_space<hbm>>
      tpu.wait_indirect_dma semaphore(%arg11 : memref<!tpu.dma_semaphore, #tpu.memory_space<semaphore_mem>>) src(%dma_wait3A_167 : memref<1000000x64xf32, #tpu.memory_space<hbm>>) dst(%arg7 : memref<72x64xf32, #tpu.memory_space<vmem>>)
      %jit3A_168 = arith.constant 2 : i32
      %div3A_169 = arith.divsi %add3A_137, %jit3A_168 : i32
      %sign3A_170 = arith.constant 0 : i32
      %sign3A_171 = arith.cmpi sgt, %add3A_137, %sign3A_170 : i32
      %sign3A_172 = arith.extui %sign3A_171 : i1 to i32
      %sign3A_173 = arith.constant 0 : i32
      %sign3A_174 = arith.cmpi slt, %add3A_137, %sign3A_173 : i32
      %sign3A_175 = arith.extui %sign3A_174 : i1 to i32
      %sign3A_176 = arith.subi %sign3A_172, %sign3A_175 : i32
      %sign3A_177 = arith.constant 0 : i32
      %sign3A_178 = arith.cmpi sgt, %jit3A_168, %sign3A_177 : i32
      %sign3A_179 = arith.extui %sign3A_178 : i1 to i32
      %sign3A_180 = arith.constant 0 : i32
      %sign3A_181 = arith.cmpi slt, %jit3A_168, %sign3A_180 : i32
      %sign3A_182 = arith.extui %sign3A_181 : i1 to i32
      %sign3A_183 = arith.subi %sign3A_179, %sign3A_182 : i32
      %ne3A_184 = arith.cmpi ne, %sign3A_176, %sign3A_183 : i32
      %rem3A_185 = arith.remsi %add3A_137, %jit3A_168 : i32
      %ne3A_186 = arith.constant 0 : i32
      %ne3A_187 = arith.cmpi ne, %rem3A_185, %ne3A_186 : i32
      %and3A_188 = arith.andi %ne3A_184, %ne3A_187 : i1
      %sub3A_189 = arith.constant 1 : i32
      %sub3A_190 = arith.subi %div3A_169, %sub3A_189 : i32
      %select_n3A_191 = arith.select %and3A_188, %sub3A_190, %div3A_169 : i32
      %mul3A_192 = arith.constant 200 : i32
      %mul3A_193 = arith.muli %select_n3A_191, %mul3A_192 : i32
      %add3A_194 = arith.addi %mul3A_4, %mul3A_193 : i32
      %add3A_195 = arith.constant 128 : i32
      %add3A_196 = arith.addi %add3A_194, %add3A_195 : i32
      %dma_start3A_197 = arith.constant 0 : i32
      %dma_start3A_198 = tpu.memref_slice %arg4[%add3A_196, %dma_start3A_197] : memref<819200x128xf32, #tpu.memory_space<hbm>> -> memref<72x64xf32, #tpu.memory_space<hbm>>
      %dma_start3A_199 = arith.constant 0 : i32
      %dma_start3A_200 = tpu.memref_slice %arg4[%add3A_196, %dma_start3A_199] : memref<819200x128xf32, #tpu.memory_space<hbm>> -> memref<72x64xf32, #tpu.memory_space<hbm>>
      tpu.enqueue_dma source(%arg7 : memref<72x64xf32, #tpu.memory_space<vmem>>) target(%dma_start3A_200 : memref<72x64xf32, #tpu.memory_space<hbm>>) target_semaphore(%arg15 : memref<!tpu.dma_semaphore, #tpu.memory_space<semaphore_mem>>)
      %add3A_201 = arith.constant 1 : i32
      %add3A_202 = arith.addi %scan3A_69, %add3A_201 : i32
      %lt3A_203 = arith.constant 64 : i32
      %lt3A_204 = arith.cmpi slt, %add3A_202, %lt3A_203 : i32
      %convert_element_type3A_205 = arith.extui %lt3A_204 : i1 to i32
      %cond3A_206 = arith.constant 0 : i32
      %cond3A_207 = arith.cmpi ne, %convert_element_type3A_205, %cond3A_206 : i32
      scf.if %cond3A_207 {
        %jit3A_357 = arith.constant 2 : i32
        %div3A_358 = arith.divsi %add3A_137, %jit3A_357 : i32
        %sign3A_359 = arith.constant 0 : i32
        %sign3A_360 = arith.cmpi sgt, %add3A_137, %sign3A_359 : i32
        %sign3A_361 = arith.extui %sign3A_360 : i1 to i32
        %sign3A_362 = arith.constant 0 : i32
        %sign3A_363 = arith.cmpi slt, %add3A_137, %sign3A_362 : i32
        %sign3A_364 = arith.extui %sign3A_363 : i1 to i32
        %sign3A_365 = arith.subi %sign3A_361, %sign3A_364 : i32
        %sign3A_366 = arith.constant 0 : i32
        %sign3A_367 = arith.cmpi sgt, %jit3A_357, %sign3A_366 : i32
        %sign3A_368 = arith.extui %sign3A_367 : i1 to i32
        %sign3A_369 = arith.constant 0 : i32
        %sign3A_370 = arith.cmpi slt, %jit3A_357, %sign3A_369 : i32
        %sign3A_371 = arith.extui %sign3A_370 : i1 to i32
        %sign3A_372 = arith.subi %sign3A_368, %sign3A_371 : i32
        %ne3A_373 = arith.cmpi ne, %sign3A_365, %sign3A_372 : i32
        %rem3A_374 = arith.remsi %add3A_137, %jit3A_357 : i32
        %ne3A_375 = arith.constant 0 : i32
        %ne3A_376 = arith.cmpi ne, %rem3A_374, %ne3A_375 : i32
        %and3A_377 = arith.andi %ne3A_373, %ne3A_376 : i1
        %sub3A_378 = arith.constant 1 : i32
        %sub3A_379 = arith.subi %div3A_358, %sub3A_378 : i32
        %select_n3A_380 = arith.select %and3A_377, %sub3A_379, %div3A_358 : i32
        %mul3A_381 = arith.constant 200 : i32
        %mul3A_382 = arith.muli %select_n3A_380, %mul3A_381 : i32
        %add3A_383 = arith.addi %mul3A_4, %mul3A_382 : i32
        %add3A_384 = arith.constant 128 : i32
        %add3A_385 = arith.addi %add3A_383, %add3A_384 : i32
        %dma_wait3A_386 = arith.constant 0 : i32
        %dma_wait3A_387 = tpu.memref_slice %arg4[%add3A_385, %dma_wait3A_386] : memref<819200x128xf32, #tpu.memory_space<hbm>> -> memref<72x64xf32, #tpu.memory_space<hbm>>
        %dma_wait3A_388 = arith.constant 0 : i32
        %dma_wait3A_389 = tpu.memref_slice %arg4[%add3A_385, %dma_wait3A_388] : memref<819200x128xf32, #tpu.memory_space<hbm>> -> memref<72x64xf32, #tpu.memory_space<hbm>>
        tpu.wait_dma2 semaphore(%arg15 : memref<!tpu.dma_semaphore, #tpu.memory_space<semaphore_mem>>) src(%arg7 : memref<72x64xf32, #tpu.memory_space<vmem>>) dst(%dma_wait3A_389 : memref<72x64xf32, #tpu.memory_space<hbm>>)
        %add3A_390 = arith.constant 4 : i32
        %add3A_391 = arith.addi %add3A_137, %add3A_390 : i32
        %jit3A_392 = arith.constant 2 : i32
        %div3A_393 = arith.divsi %add3A_391, %jit3A_392 : i32
        %sign3A_394 = arith.constant 0 : i32
        %sign3A_395 = arith.cmpi sgt, %add3A_391, %sign3A_394 : i32
        %sign3A_396 = arith.extui %sign3A_395 : i1 to i32
        %sign3A_397 = arith.constant 0 : i32
        %sign3A_398 = arith.cmpi slt, %add3A_391, %sign3A_397 : i32
        %sign3A_399 = arith.extui %sign3A_398 : i1 to i32
        %sign3A_400 = arith.subi %sign3A_396, %sign3A_399 : i32
        %sign3A_401 = arith.constant 0 : i32
        %sign3A_402 = arith.cmpi sgt, %jit3A_392, %sign3A_401 : i32
        %sign3A_403 = arith.extui %sign3A_402 : i1 to i32
        %sign3A_404 = arith.constant 0 : i32
        %sign3A_405 = arith.cmpi slt, %jit3A_392, %sign3A_404 : i32
        %sign3A_406 = arith.extui %sign3A_405 : i1 to i32
        %sign3A_407 = arith.subi %sign3A_403, %sign3A_406 : i32
        %ne3A_408 = arith.cmpi ne, %sign3A_400, %sign3A_407 : i32
        %rem3A_409 = arith.remsi %add3A_391, %jit3A_392 : i32
        %ne3A_410 = arith.constant 0 : i32
        %ne3A_411 = arith.cmpi ne, %rem3A_409, %ne3A_410 : i32
        %and3A_412 = arith.andi %ne3A_408, %ne3A_411 : i1
        %sub3A_413 = arith.constant 1 : i32
        %sub3A_414 = arith.subi %div3A_393, %sub3A_413 : i32
        %select_n3A_415 = arith.select %and3A_412, %sub3A_414, %div3A_393 : i32
        %dma_start3A_416 = arith.constant 128 : i32
        %dma_start3A_417 = tpu.memref_slice %arg5[%select_n3A_415, %dma_start3A_416] : memref<128x200xi32, #tpu.memory_space<vmem>> -> memref<1x72xi32, #tpu.memory_space<vmem>>
        %dma_start3A_418 = tpu.memref_squeeze %dma_start3A_417 : memref<1x72xi32, #tpu.memory_space<vmem>> -> memref<72xi32, #tpu.memory_space<vmem>>
        %dma_start3A_419 = arith.constant 0 : i32
        %dma_start3A_420 = arith.constant 0 : i32
        %dma_start3A_421 = tpu.memref_slice %arg2[%dma_start3A_419, %dma_start3A_420] : memref<1000000x64xf32, #tpu.memory_space<hbm>> -> memref<1000000x64xf32, #tpu.memory_space<hbm>>
        tpu.enqueue_indirect_dma source(%dma_start3A_421 : memref<1000000x64xf32, #tpu.memory_space<hbm>>) target(%arg7 : memref<72x64xf32, #tpu.memory_space<vmem>>) offsets(%dma_start3A_418 : memref<72xi32, #tpu.memory_space<vmem>>) semaphore(%arg11 : memref<!tpu.dma_semaphore, #tpu.memory_space<semaphore_mem>>)
      } else {
      }
      %mul3A_208 = arith.constant 4 : i32
      %mul3A_209 = arith.muli %scan3A_69, %mul3A_208 : i32
      %add3A_210 = arith.constant 2 : i32
      %add3A_211 = arith.addi %mul3A_209, %add3A_210 : i32
      %jit3A_212 = arith.constant 2 : i32
      %div3A_213 = arith.divsi %add3A_211, %jit3A_212 : i32
      %sign3A_214 = arith.constant 0 : i32
      %sign3A_215 = arith.cmpi sgt, %add3A_211, %sign3A_214 : i32
      %sign3A_216 = arith.extui %sign3A_215 : i1 to i32
      %sign3A_217 = arith.constant 0 : i32
      %sign3A_218 = arith.cmpi slt, %add3A_211, %sign3A_217 : i32
      %sign3A_219 = arith.extui %sign3A_218 : i1 to i32
      %sign3A_220 = arith.subi %sign3A_216, %sign3A_219 : i32
      %sign3A_221 = arith.constant 0 : i32
      %sign3A_222 = arith.cmpi sgt, %jit3A_212, %sign3A_221 : i32
      %sign3A_223 = arith.extui %sign3A_222 : i1 to i32
      %sign3A_224 = arith.constant 0 : i32
      %sign3A_225 = arith.cmpi slt, %jit3A_212, %sign3A_224 : i32
      %sign3A_226 = arith.extui %sign3A_225 : i1 to i32
      %sign3A_227 = arith.subi %sign3A_223, %sign3A_226 : i32
      %ne3A_228 = arith.cmpi ne, %sign3A_220, %sign3A_227 : i32
      %rem3A_229 = arith.remsi %add3A_211, %jit3A_212 : i32
      %ne3A_230 = arith.constant 0 : i32
      %ne3A_231 = arith.cmpi ne, %rem3A_229, %ne3A_230 : i32
      %and3A_232 = arith.andi %ne3A_228, %ne3A_231 : i1
      %sub3A_233 = arith.constant 1 : i32
      %sub3A_234 = arith.subi %div3A_213, %sub3A_233 : i32
      %select_n3A_235 = arith.select %and3A_232, %sub3A_234, %div3A_213 : i32
      %dma_wait3A_236 = arith.constant 0 : i32
      %dma_wait3A_237 = tpu.memref_slice %arg5[%select_n3A_235, %dma_wait3A_236] : memref<128x200xi32, #tpu.memory_space<vmem>> -> memref<1x128xi32, #tpu.memory_space<vmem>>
      %dma_wait3A_238 = tpu.memref_squeeze %dma_wait3A_237 : memref<1x128xi32, #tpu.memory_space<vmem>> -> memref<128xi32, #tpu.memory_space<vmem>>
      %dma_wait3A_239 = arith.constant 0 : i32
      %dma_wait3A_240 = arith.constant 0 : i32
      %dma_wait3A_241 = tpu.memref_slice %arg2[%dma_wait3A_239, %dma_wait3A_240] : memref<1000000x64xf32, #tpu.memory_space<hbm>> -> memref<1000000x64xf32, #tpu.memory_space<hbm>>
      tpu.wait_indirect_dma semaphore(%arg12 : memref<!tpu.dma_semaphore, #tpu.memory_space<semaphore_mem>>) src(%dma_wait3A_241 : memref<1000000x64xf32, #tpu.memory_space<hbm>>) dst(%arg8 : memref<128x64xf32, #tpu.memory_space<vmem>>)
      %jit3A_242 = arith.constant 2 : i32
      %div3A_243 = arith.divsi %add3A_211, %jit3A_242 : i32
      %sign3A_244 = arith.constant 0 : i32
      %sign3A_245 = arith.cmpi sgt, %add3A_211, %sign3A_244 : i32
      %sign3A_246 = arith.extui %sign3A_245 : i1 to i32
      %sign3A_247 = arith.constant 0 : i32
      %sign3A_248 = arith.cmpi slt, %add3A_211, %sign3A_247 : i32
      %sign3A_249 = arith.extui %sign3A_248 : i1 to i32
      %sign3A_250 = arith.subi %sign3A_246, %sign3A_249 : i32
      %sign3A_251 = arith.constant 0 : i32
      %sign3A_252 = arith.cmpi sgt, %jit3A_242, %sign3A_251 : i32
      %sign3A_253 = arith.extui %sign3A_252 : i1 to i32
      %sign3A_254 = arith.constant 0 : i32
      %sign3A_255 = arith.cmpi slt, %jit3A_242, %sign3A_254 : i32
      %sign3A_256 = arith.extui %sign3A_255 : i1 to i32
      %sign3A_257 = arith.subi %sign3A_253, %sign3A_256 : i32
      %ne3A_258 = arith.cmpi ne, %sign3A_250, %sign3A_257 : i32
      %rem3A_259 = arith.remsi %add3A_211, %jit3A_242 : i32
      %ne3A_260 = arith.constant 0 : i32
      %ne3A_261 = arith.cmpi ne, %rem3A_259, %ne3A_260 : i32
      %and3A_262 = arith.andi %ne3A_258, %ne3A_261 : i1
      %sub3A_263 = arith.constant 1 : i32
      %sub3A_264 = arith.subi %div3A_243, %sub3A_263 : i32
      %select_n3A_265 = arith.select %and3A_262, %sub3A_264, %div3A_243 : i32
      %mul3A_266 = arith.constant 200 : i32
      %mul3A_267 = arith.muli %select_n3A_265, %mul3A_266 : i32
      %add3A_268 = arith.addi %mul3A_4, %mul3A_267 : i32
      %add3A_269 = arith.constant 0 : i32
      %add3A_270 = arith.addi %add3A_268, %add3A_269 : i32
      %dma_start3A_271 = arith.constant 0 : i32
      %dma_start3A_272 = tpu.memref_slice %arg4[%add3A_270, %dma_start3A_271] : memref<819200x128xf32, #tpu.memory_space<hbm>> -> memref<128x64xf32, #tpu.memory_space<hbm>>
      %dma_start3A_273 = arith.constant 0 : i32
      %dma_start3A_274 = tpu.memref_slice %arg4[%add3A_270, %dma_start3A_273] : memref<819200x128xf32, #tpu.memory_space<hbm>> -> memref<128x64xf32, #tpu.memory_space<hbm>>
      tpu.enqueue_dma source(%arg8 : memref<128x64xf32, #tpu.memory_space<vmem>>) target(%dma_start3A_274 : memref<128x64xf32, #tpu.memory_space<hbm>>) target_semaphore(%arg16 : memref<!tpu.dma_semaphore, #tpu.memory_space<semaphore_mem>>)
      %add3A_275 = arith.constant 1 : i32
      %add3A_276 = arith.addi %scan3A_69, %add3A_275 : i32
      %lt3A_277 = arith.constant 64 : i32
      %lt3A_278 = arith.cmpi slt, %add3A_276, %lt3A_277 : i32
      %convert_element_type3A_279 = arith.extui %lt3A_278 : i1 to i32
      %cond3A_280 = arith.constant 0 : i32
      %cond3A_281 = arith.cmpi ne, %convert_element_type3A_279, %cond3A_280 : i32
      scf.if %cond3A_281 {
        %jit3A_357 = arith.constant 2 : i32
        %div3A_358 = arith.divsi %add3A_211, %jit3A_357 : i32
        %sign3A_359 = arith.constant 0 : i32
        %sign3A_360 = arith.cmpi sgt, %add3A_211, %sign3A_359 : i32
        %sign3A_361 = arith.extui %sign3A_360 : i1 to i32
        %sign3A_362 = arith.constant 0 : i32
        %sign3A_363 = arith.cmpi slt, %add3A_211, %sign3A_362 : i32
        %sign3A_364 = arith.extui %sign3A_363 : i1 to i32
        %sign3A_365 = arith.subi %sign3A_361, %sign3A_364 : i32
        %sign3A_366 = arith.constant 0 : i32
        %sign3A_367 = arith.cmpi sgt, %jit3A_357, %sign3A_366 : i32
        %sign3A_368 = arith.extui %sign3A_367 : i1 to i32
        %sign3A_369 = arith.constant 0 : i32
        %sign3A_370 = arith.cmpi slt, %jit3A_357, %sign3A_369 : i32
        %sign3A_371 = arith.extui %sign3A_370 : i1 to i32
        %sign3A_372 = arith.subi %sign3A_368, %sign3A_371 : i32
        %ne3A_373 = arith.cmpi ne, %sign3A_365, %sign3A_372 : i32
        %rem3A_374 = arith.remsi %add3A_211, %jit3A_357 : i32
        %ne3A_375 = arith.constant 0 : i32
        %ne3A_376 = arith.cmpi ne, %rem3A_374, %ne3A_375 : i32
        %and3A_377 = arith.andi %ne3A_373, %ne3A_376 : i1
        %sub3A_378 = arith.constant 1 : i32
        %sub3A_379 = arith.subi %div3A_358, %sub3A_378 : i32
        %select_n3A_380 = arith.select %and3A_377, %sub3A_379, %div3A_358 : i32
        %mul3A_381 = arith.constant 200 : i32
        %mul3A_382 = arith.muli %select_n3A_380, %mul3A_381 : i32
        %add3A_383 = arith.addi %mul3A_4, %mul3A_382 : i32
        %add3A_384 = arith.constant 0 : i32
        %add3A_385 = arith.addi %add3A_383, %add3A_384 : i32
        %dma_wait3A_386 = arith.constant 0 : i32
        %dma_wait3A_387 = tpu.memref_slice %arg4[%add3A_385, %dma_wait3A_386] : memref<819200x128xf32, #tpu.memory_space<hbm>> -> memref<128x64xf32, #tpu.memory_space<hbm>>
        %dma_wait3A_388 = arith.constant 0 : i32
        %dma_wait3A_389 = tpu.memref_slice %arg4[%add3A_385, %dma_wait3A_388] : memref<819200x128xf32, #tpu.memory_space<hbm>> -> memref<128x64xf32, #tpu.memory_space<hbm>>
        tpu.wait_dma2 semaphore(%arg16 : memref<!tpu.dma_semaphore, #tpu.memory_space<semaphore_mem>>) src(%arg8 : memref<128x64xf32, #tpu.memory_space<vmem>>) dst(%dma_wait3A_389 : memref<128x64xf32, #tpu.memory_space<hbm>>)
        %add3A_390 = arith.constant 4 : i32
        %add3A_391 = arith.addi %add3A_211, %add3A_390 : i32
        %jit3A_392 = arith.constant 2 : i32
        %div3A_393 = arith.divsi %add3A_391, %jit3A_392 : i32
        %sign3A_394 = arith.constant 0 : i32
        %sign3A_395 = arith.cmpi sgt, %add3A_391, %sign3A_394 : i32
        %sign3A_396 = arith.extui %sign3A_395 : i1 to i32
        %sign3A_397 = arith.constant 0 : i32
        %sign3A_398 = arith.cmpi slt, %add3A_391, %sign3A_397 : i32
        %sign3A_399 = arith.extui %sign3A_398 : i1 to i32
        %sign3A_400 = arith.subi %sign3A_396, %sign3A_399 : i32
        %sign3A_401 = arith.constant 0 : i32
        %sign3A_402 = arith.cmpi sgt, %jit3A_392, %sign3A_401 : i32
        %sign3A_403 = arith.extui %sign3A_402 : i1 to i32
        %sign3A_404 = arith.constant 0 : i32
        %sign3A_405 = arith.cmpi slt, %jit3A_392, %sign3A_404 : i32
        %sign3A_406 = arith.extui %sign3A_405 : i1 to i32
        %sign3A_407 = arith.subi %sign3A_403, %sign3A_406 : i32
        %ne3A_408 = arith.cmpi ne, %sign3A_400, %sign3A_407 : i32
        %rem3A_409 = arith.remsi %add3A_391, %jit3A_392 : i32
        %ne3A_410 = arith.constant 0 : i32
        %ne3A_411 = arith.cmpi ne, %rem3A_409, %ne3A_410 : i32
        %and3A_412 = arith.andi %ne3A_408, %ne3A_411 : i1
        %sub3A_413 = arith.constant 1 : i32
        %sub3A_414 = arith.subi %div3A_393, %sub3A_413 : i32
        %select_n3A_415 = arith.select %and3A_412, %sub3A_414, %div3A_393 : i32
        %dma_start3A_416 = arith.constant 0 : i32
        %dma_start3A_417 = tpu.memref_slice %arg5[%select_n3A_415, %dma_start3A_416] : memref<128x200xi32, #tpu.memory_space<vmem>> -> memref<1x128xi32, #tpu.memory_space<vmem>>
        %dma_start3A_418 = tpu.memref_squeeze %dma_start3A_417 : memref<1x128xi32, #tpu.memory_space<vmem>> -> memref<128xi32, #tpu.memory_space<vmem>>
        %dma_start3A_419 = arith.constant 0 : i32
        %dma_start3A_420 = arith.constant 0 : i32
        %dma_start3A_421 = tpu.memref_slice %arg2[%dma_start3A_419, %dma_start3A_420] : memref<1000000x64xf32, #tpu.memory_space<hbm>> -> memref<1000000x64xf32, #tpu.memory_space<hbm>>
        tpu.enqueue_indirect_dma source(%dma_start3A_421 : memref<1000000x64xf32, #tpu.memory_space<hbm>>) target(%arg8 : memref<128x64xf32, #tpu.memory_space<vmem>>) offsets(%dma_start3A_418 : memref<128xi32, #tpu.memory_space<vmem>>) semaphore(%arg12 : memref<!tpu.dma_semaphore, #tpu.memory_space<semaphore_mem>>)
      } else {
      }
      %mul3A_282 = arith.constant 4 : i32
      %mul3A_283 = arith.muli %scan3A_69, %mul3A_282 : i32
      %add3A_284 = arith.constant 3 : i32
      %add3A_285 = arith.addi %mul3A_283, %add3A_284 : i32
      %jit3A_286 = arith.constant 2 : i32
      %div3A_287 = arith.divsi %add3A_285, %jit3A_286 : i32
      %sign3A_288 = arith.constant 0 : i32
      %sign3A_289 = arith.cmpi sgt, %add3A_285, %sign3A_288 : i32
      %sign3A_290 = arith.extui %sign3A_289 : i1 to i32
      %sign3A_291 = arith.constant 0 : i32
      %sign3A_292 = arith.cmpi slt, %add3A_285, %sign3A_291 : i32
      %sign3A_293 = arith.extui %sign3A_292 : i1 to i32
      %sign3A_294 = arith.subi %sign3A_290, %sign3A_293 : i32
      %sign3A_295 = arith.constant 0 : i32
      %sign3A_296 = arith.cmpi sgt, %jit3A_286, %sign3A_295 : i32
      %sign3A_297 = arith.extui %sign3A_296 : i1 to i32
      %sign3A_298 = arith.constant 0 : i32
      %sign3A_299 = arith.cmpi slt, %jit3A_286, %sign3A_298 : i32
      %sign3A_300 = arith.extui %sign3A_299 : i1 to i32
      %sign3A_301 = arith.subi %sign3A_297, %sign3A_300 : i32
      %ne3A_302 = arith.cmpi ne, %sign3A_294, %sign3A_301 : i32
      %rem3A_303 = arith.remsi %add3A_285, %jit3A_286 : i32
      %ne3A_304 = arith.constant 0 : i32
      %ne3A_305 = arith.cmpi ne, %rem3A_303, %ne3A_304 : i32
      %and3A_306 = arith.andi %ne3A_302, %ne3A_305 : i1
      %sub3A_307 = arith.constant 1 : i32
      %sub3A_308 = arith.subi %div3A_287, %sub3A_307 : i32
      %select_n3A_309 = arith.select %and3A_306, %sub3A_308, %div3A_287 : i32
      %dma_wait3A_310 = arith.constant 128 : i32
      %dma_wait3A_311 = tpu.memref_slice %arg5[%select_n3A_309, %dma_wait3A_310] : memref<128x200xi32, #tpu.memory_space<vmem>> -> memref<1x72xi32, #tpu.memory_space<vmem>>
      %dma_wait3A_312 = tpu.memref_squeeze %dma_wait3A_311 : memref<1x72xi32, #tpu.memory_space<vmem>> -> memref<72xi32, #tpu.memory_space<vmem>>
      %dma_wait3A_313 = arith.constant 0 : i32
      %dma_wait3A_314 = arith.constant 0 : i32
      %dma_wait3A_315 = tpu.memref_slice %arg2[%dma_wait3A_313, %dma_wait3A_314] : memref<1000000x64xf32, #tpu.memory_space<hbm>> -> memref<1000000x64xf32, #tpu.memory_space<hbm>>
      tpu.wait_indirect_dma semaphore(%arg13 : memref<!tpu.dma_semaphore, #tpu.memory_space<semaphore_mem>>) src(%dma_wait3A_315 : memref<1000000x64xf32, #tpu.memory_space<hbm>>) dst(%arg9 : memref<72x64xf32, #tpu.memory_space<vmem>>)
      %jit3A_316 = arith.constant 2 : i32
      %div3A_317 = arith.divsi %add3A_285, %jit3A_316 : i32
      %sign3A_318 = arith.constant 0 : i32
      %sign3A_319 = arith.cmpi sgt, %add3A_285, %sign3A_318 : i32
      %sign3A_320 = arith.extui %sign3A_319 : i1 to i32
      %sign3A_321 = arith.constant 0 : i32
      %sign3A_322 = arith.cmpi slt, %add3A_285, %sign3A_321 : i32
      %sign3A_323 = arith.extui %sign3A_322 : i1 to i32
      %sign3A_324 = arith.subi %sign3A_320, %sign3A_323 : i32
      %sign3A_325 = arith.constant 0 : i32
      %sign3A_326 = arith.cmpi sgt, %jit3A_316, %sign3A_325 : i32
      %sign3A_327 = arith.extui %sign3A_326 : i1 to i32
      %sign3A_328 = arith.constant 0 : i32
      %sign3A_329 = arith.cmpi slt, %jit3A_316, %sign3A_328 : i32
      %sign3A_330 = arith.extui %sign3A_329 : i1 to i32
      %sign3A_331 = arith.subi %sign3A_327, %sign3A_330 : i32
      %ne3A_332 = arith.cmpi ne, %sign3A_324, %sign3A_331 : i32
      %rem3A_333 = arith.remsi %add3A_285, %jit3A_316 : i32
      %ne3A_334 = arith.constant 0 : i32
      %ne3A_335 = arith.cmpi ne, %rem3A_333, %ne3A_334 : i32
      %and3A_336 = arith.andi %ne3A_332, %ne3A_335 : i1
      %sub3A_337 = arith.constant 1 : i32
      %sub3A_338 = arith.subi %div3A_317, %sub3A_337 : i32
      %select_n3A_339 = arith.select %and3A_336, %sub3A_338, %div3A_317 : i32
      %mul3A_340 = arith.constant 200 : i32
      %mul3A_341 = arith.muli %select_n3A_339, %mul3A_340 : i32
      %add3A_342 = arith.addi %mul3A_4, %mul3A_341 : i32
      %add3A_343 = arith.constant 128 : i32
      %add3A_344 = arith.addi %add3A_342, %add3A_343 : i32
      %dma_start3A_345 = arith.constant 0 : i32
      %dma_start3A_346 = tpu.memref_slice %arg4[%add3A_344, %dma_start3A_345] : memref<819200x128xf32, #tpu.memory_space<hbm>> -> memref<72x64xf32, #tpu.memory_space<hbm>>
      %dma_start3A_347 = arith.constant 0 : i32
      %dma_start3A_348 = tpu.memref_slice %arg4[%add3A_344, %dma_start3A_347] : memref<819200x128xf32, #tpu.memory_space<hbm>> -> memref<72x64xf32, #tpu.memory_space<hbm>>
      tpu.enqueue_dma source(%arg9 : memref<72x64xf32, #tpu.memory_space<vmem>>) target(%dma_start3A_348 : memref<72x64xf32, #tpu.memory_space<hbm>>) target_semaphore(%arg17 : memref<!tpu.dma_semaphore, #tpu.memory_space<semaphore_mem>>)
      %add3A_349 = arith.constant 1 : i32
      %add3A_350 = arith.addi %scan3A_69, %add3A_349 : i32
      %lt3A_351 = arith.constant 64 : i32
      %lt3A_352 = arith.cmpi slt, %add3A_350, %lt3A_351 : i32
      %convert_element_type3A_353 = arith.extui %lt3A_352 : i1 to i32
      %cond3A_354 = arith.constant 0 : i32
      %cond3A_355 = arith.cmpi ne, %convert_element_type3A_353, %cond3A_354 : i32
      scf.if %cond3A_355 {
        %jit3A_357 = arith.constant 2 : i32
        %div3A_358 = arith.divsi %add3A_285, %jit3A_357 : i32
        %sign3A_359 = arith.constant 0 : i32
        %sign3A_360 = arith.cmpi sgt, %add3A_285, %sign3A_359 : i32
        %sign3A_361 = arith.extui %sign3A_360 : i1 to i32
        %sign3A_362 = arith.constant 0 : i32
        %sign3A_363 = arith.cmpi slt, %add3A_285, %sign3A_362 : i32
        %sign3A_364 = arith.extui %sign3A_363 : i1 to i32
        %sign3A_365 = arith.subi %sign3A_361, %sign3A_364 : i32
        %sign3A_366 = arith.constant 0 : i32
        %sign3A_367 = arith.cmpi sgt, %jit3A_357, %sign3A_366 : i32
        %sign3A_368 = arith.extui %sign3A_367 : i1 to i32
        %sign3A_369 = arith.constant 0 : i32
        %sign3A_370 = arith.cmpi slt, %jit3A_357, %sign3A_369 : i32
        %sign3A_371 = arith.extui %sign3A_370 : i1 to i32
        %sign3A_372 = arith.subi %sign3A_368, %sign3A_371 : i32
        %ne3A_373 = arith.cmpi ne, %sign3A_365, %sign3A_372 : i32
        %rem3A_374 = arith.remsi %add3A_285, %jit3A_357 : i32
        %ne3A_375 = arith.constant 0 : i32
        %ne3A_376 = arith.cmpi ne, %rem3A_374, %ne3A_375 : i32
        %and3A_377 = arith.andi %ne3A_373, %ne3A_376 : i1
        %sub3A_378 = arith.constant 1 : i32
        %sub3A_379 = arith.subi %div3A_358, %sub3A_378 : i32
        %select_n3A_380 = arith.select %and3A_377, %sub3A_379, %div3A_358 : i32
        %mul3A_381 = arith.constant 200 : i32
        %mul3A_382 = arith.muli %select_n3A_380, %mul3A_381 : i32
        %add3A_383 = arith.addi %mul3A_4, %mul3A_382 : i32
        %add3A_384 = arith.constant 128 : i32
        %add3A_385 = arith.addi %add3A_383, %add3A_384 : i32
        %dma_wait3A_386 = arith.constant 0 : i32
        %dma_wait3A_387 = tpu.memref_slice %arg4[%add3A_385, %dma_wait3A_386] : memref<819200x128xf32, #tpu.memory_space<hbm>> -> memref<72x64xf32, #tpu.memory_space<hbm>>
        %dma_wait3A_388 = arith.constant 0 : i32
        %dma_wait3A_389 = tpu.memref_slice %arg4[%add3A_385, %dma_wait3A_388] : memref<819200x128xf32, #tpu.memory_space<hbm>> -> memref<72x64xf32, #tpu.memory_space<hbm>>
        tpu.wait_dma2 semaphore(%arg17 : memref<!tpu.dma_semaphore, #tpu.memory_space<semaphore_mem>>) src(%arg9 : memref<72x64xf32, #tpu.memory_space<vmem>>) dst(%dma_wait3A_389 : memref<72x64xf32, #tpu.memory_space<hbm>>)
        %add3A_390 = arith.constant 4 : i32
        %add3A_391 = arith.addi %add3A_285, %add3A_390 : i32
        %jit3A_392 = arith.constant 2 : i32
        %div3A_393 = arith.divsi %add3A_391, %jit3A_392 : i32
        %sign3A_394 = arith.constant 0 : i32
        %sign3A_395 = arith.cmpi sgt, %add3A_391, %sign3A_394 : i32
        %sign3A_396 = arith.extui %sign3A_395 : i1 to i32
        %sign3A_397 = arith.constant 0 : i32
        %sign3A_398 = arith.cmpi slt, %add3A_391, %sign3A_397 : i32
        %sign3A_399 = arith.extui %sign3A_398 : i1 to i32
        %sign3A_400 = arith.subi %sign3A_396, %sign3A_399 : i32
        %sign3A_401 = arith.constant 0 : i32
        %sign3A_402 = arith.cmpi sgt, %jit3A_392, %sign3A_401 : i32
        %sign3A_403 = arith.extui %sign3A_402 : i1 to i32
        %sign3A_404 = arith.constant 0 : i32
        %sign3A_405 = arith.cmpi slt, %jit3A_392, %sign3A_404 : i32
        %sign3A_406 = arith.extui %sign3A_405 : i1 to i32
        %sign3A_407 = arith.subi %sign3A_403, %sign3A_406 : i32
        %ne3A_408 = arith.cmpi ne, %sign3A_400, %sign3A_407 : i32
        %rem3A_409 = arith.remsi %add3A_391, %jit3A_392 : i32
        %ne3A_410 = arith.constant 0 : i32
        %ne3A_411 = arith.cmpi ne, %rem3A_409, %ne3A_410 : i32
        %and3A_412 = arith.andi %ne3A_408, %ne3A_411 : i1
        %sub3A_413 = arith.constant 1 : i32
        %sub3A_414 = arith.subi %div3A_393, %sub3A_413 : i32
        %select_n3A_415 = arith.select %and3A_412, %sub3A_414, %div3A_393 : i32
        %dma_start3A_416 = arith.constant 128 : i32
        %dma_start3A_417 = tpu.memref_slice %arg5[%select_n3A_415, %dma_start3A_416] : memref<128x200xi32, #tpu.memory_space<vmem>> -> memref<1x72xi32, #tpu.memory_space<vmem>>
        %dma_start3A_418 = tpu.memref_squeeze %dma_start3A_417 : memref<1x72xi32, #tpu.memory_space<vmem>> -> memref<72xi32, #tpu.memory_space<vmem>>
        %dma_start3A_419 = arith.constant 0 : i32
        %dma_start3A_420 = arith.constant 0 : i32
        %dma_start3A_421 = tpu.memref_slice %arg2[%dma_start3A_419, %dma_start3A_420] : memref<1000000x64xf32, #tpu.memory_space<hbm>> -> memref<1000000x64xf32, #tpu.memory_space<hbm>>
        tpu.enqueue_indirect_dma source(%dma_start3A_421 : memref<1000000x64xf32, #tpu.memory_space<hbm>>) target(%arg9 : memref<72x64xf32, #tpu.memory_space<vmem>>) offsets(%dma_start3A_418 : memref<72xi32, #tpu.memory_space<vmem>>) semaphore(%arg13 : memref<!tpu.dma_semaphore, #tpu.memory_space<semaphore_mem>>)
      } else {
      }
      %scan3A_356 = arith.constant 0 : i32
      scf.yield %scan3A_356 : i32
    }
    %scan3A_37 = arith.constant 64 : i32
    %add3A_38 = arith.constant 25200 : i32
    %add3A_39 = arith.addi %mul3A_4, %add3A_38 : i32
    %add3A_40 = arith.constant 0 : i32
    %add3A_41 = arith.addi %add3A_39, %add3A_40 : i32
    %dma_wait3A = arith.constant 0 : i32
    %dma_wait3A_42 = tpu.memref_slice %arg4[%add3A_41, %dma_wait3A] : memref<819200x128xf32, #tpu.memory_space<hbm>> -> memref<128x64xf32, #tpu.memory_space<hbm>>
    %dma_wait3A_43 = arith.constant 0 : i32
    %dma_wait3A_44 = tpu.memref_slice %arg4[%add3A_41, %dma_wait3A_43] : memref<819200x128xf32, #tpu.memory_space<hbm>> -> memref<128x64xf32, #tpu.memory_space<hbm>>
    tpu.wait_dma2 semaphore(%arg14 : memref<!tpu.dma_semaphore, #tpu.memory_space<semaphore_mem>>) src(%arg6 : memref<128x64xf32, #tpu.memory_space<vmem>>) dst(%dma_wait3A_44 : memref<128x64xf32, #tpu.memory_space<hbm>>)
    %add3A_45 = arith.constant 25200 : i32
    %add3A_46 = arith.addi %mul3A_4, %add3A_45 : i32
    %add3A_47 = arith.constant 128 : i32
    %add3A_48 = arith.addi %add3A_46, %add3A_47 : i32
    %dma_wait3A_49 = arith.constant 0 : i32
    %dma_wait3A_50 = tpu.memref_slice %arg4[%add3A_48, %dma_wait3A_49] : memref<819200x128xf32, #tpu.memory_space<hbm>> -> memref<72x64xf32, #tpu.memory_space<hbm>>
    %dma_wait3A_51 = arith.constant 0 : i32
    %dma_wait3A_52 = tpu.memref_slice %arg4[%add3A_48, %dma_wait3A_51] : memref<819200x128xf32, #tpu.memory_space<hbm>> -> memref<72x64xf32, #tpu.memory_space<hbm>>
    tpu.wait_dma2 semaphore(%arg15 : memref<!tpu.dma_semaphore, #tpu.memory_space<semaphore_mem>>) src(%arg7 : memref<72x64xf32, #tpu.memory_space<vmem>>) dst(%dma_wait3A_52 : memref<72x64xf32, #tpu.memory_space<hbm>>)
    %add3A_53 = arith.constant 25400 : i32
    %add3A_54 = arith.addi %mul3A_4, %add3A_53 : i32
    %add3A_55 = arith.constant 0 : i32
    %add3A_56 = arith.addi %add3A_54, %add3A_55 : i32
    %dma_wait3A_57 = arith.constant 0 : i32
    %dma_wait3A_58 = tpu.memref_slice %arg4[%add3A_56, %dma_wait3A_57] : memref<819200x128xf32, #tpu.memory_space<hbm>> -> memref<128x64xf32, #tpu.memory_space<hbm>>
    %dma_wait3A_59 = arith.constant 0 : i32
    %dma_wait3A_60 = tpu.memref_slice %arg4[%add3A_56, %dma_wait3A_59] : memref<819200x128xf32, #tpu.memory_space<hbm>> -> memref<128x64xf32, #tpu.memory_space<hbm>>
    tpu.wait_dma2 semaphore(%arg16 : memref<!tpu.dma_semaphore, #tpu.memory_space<semaphore_mem>>) src(%arg8 : memref<128x64xf32, #tpu.memory_space<vmem>>) dst(%dma_wait3A_60 : memref<128x64xf32, #tpu.memory_space<hbm>>)
    %add3A_61 = arith.constant 25400 : i32
    %add3A_62 = arith.addi %mul3A_4, %add3A_61 : i32
    %add3A_63 = arith.constant 128 : i32
    %add3A_64 = arith.addi %add3A_62, %add3A_63 : i32
    %dma_wait3A_65 = arith.constant 0 : i32
    %dma_wait3A_66 = tpu.memref_slice %arg4[%add3A_64, %dma_wait3A_65] : memref<819200x128xf32, #tpu.memory_space<hbm>> -> memref<72x64xf32, #tpu.memory_space<hbm>>
    %dma_wait3A_67 = arith.constant 0 : i32
    %dma_wait3A_68 = tpu.memref_slice %arg4[%add3A_64, %dma_wait3A_67] : memref<819200x128xf32, #tpu.memory_space<hbm>> -> memref<72x64xf32, #tpu.memory_space<hbm>>
    tpu.wait_dma2 semaphore(%arg17 : memref<!tpu.dma_semaphore, #tpu.memory_space<semaphore_mem>>) src(%arg9 : memref<72x64xf32, #tpu.memory_space<vmem>>) dst(%dma_wait3A_68 : memref<72x64xf32, #tpu.memory_space<hbm>>)
    return
  }
}

</mosaic_0001>

<sc_bundles>
// kernel: kernel.3.cloned.1.call-start
scs
__scs_entry_jumppad:
0x0: {  	(pc) =	sbr.rel $0x88, $3  }
0x1: {  	(tag) =	ssettag $0x0;
	lr =	simm.s32 $0x1  }
0x2: {  	[smem:$0x3F9F] =	sst lr;
	_ =	strace $0xD0000000  }
0x3: {  	_ = 	snop  }
0x4: {  	_ = 	snop  }
0x5: {  	_ = 	snop  }
0x6: {  	_ = 	snop  }
0x7: {  	_ = 	snop  }
__scs_overlays_trampoline_lowered:
0x8: {  	[smem:$0x3FAE] =	sst s0  }
0x9: {  	[smem:$0x3FAF] =	sst s1  }
0xa: {  	[smem:$0x3FB0] =	sst s2  }
0xb: {  	[smem:$0x3FB1] =	sst s3  }
0xc: {  	[smem:$0x3FB2] =	sst s4  }
0xd: {  	[smem:$0x3FB3] =	sst s5  }
0xe: {  	[smem:$0x3FB4] =	sst s6  }
0xf: {  	[smem:$0x3FB5] =	sst s7  }
0x10: {  	[smem:$0x3FB6] =	sst s8  }
0x11: {  	[smem:$0x3FB7] =	sst s9;
	s0 =	simm.s32 @!p0 $0x0  }
0x12: {  	s1 =	sld [smem:$0x3F9D];
	s0 =	simm.s32 @p0 $0x1  }
0x13: {  	[smem:$0x3FB8] =	sst s0;
	s0 =	simm.s32 @!p1 $0x0  }
0x14: {  	s2 =	sld [smem:$0x3F9C];
	s0 =	simm.s32 @p1 $0x1  }
0x15: {  	[smem:$0x3FB9] =	sst s0;
	s0 =	simm.s32 @!p2 $0x0  }
0x16: {  	s3 =	sld [smem:$0x3FDB];
	s0 =	simm.s32 @p2 $0x1  }
0x17: {  	s4 =	simm.s32 $0x1BF5;
	[smem:$0x3FBB] =	sst s0  }
0x18: {  	s0 =	sld [smem:$0x3F9E];
	_ =	swait.ge [sflag:s4], $0x0  }
0x19: {  	s7 =	sld [smem:$0x3F9F]  }
0x1a: {  	s8 =	sadd.s32 $0xFFFFE003, lr  }
0x1b: {  	s9 =	sadd.s32 $0xFFFFFEF7, lr;
	s5 =	simm.s32 $0xFFFFFFFF;
	p2 =	slt.u32 s8, $0xFFFFF086  }
0x1c: {  	p1 =	slt.u32 s9, $0xF7A;
	s5 =	simm.s32 @!p2 $0x0  }
0x1d: {  	s5 =	simm.s32 @p1 $0x1;
	p0 =	seq.s32 s7, s2  }
0x1e: {  	s7 =	smul.u32 @!p0 $0xF7A, s2;
	p2 =	seq.s32 @!p0 s5, $0x0  }
0x1f: {  	s9 =	smul.u32 $0xF7A, s1;
	s8 =	simm.s32 @!p0 $0x1BF5;
	p2 =	por !p2, p0  }
0x20: {  	[sflag:s8] =	ssyncset.s32 @!p0 $0xFFFFF086;
	s6 =	sadd.s32 @!p0 s3, s7;
	s7 =	simm.s32 @!p0 $0x108  }
0x21: {  	s3 =	sadd.s32 s3, s9;
	s6 =	sadd.s32 @!p0 $0x88, s6;
	s7 =	simm.s32 @p2 $0x1082  }
0x22: {  	[simem:s7], [sflag:s8] =	dma.local @!p0 [hbm:s6], $0xF7A  }
0x23: {  	s9 =	sor.u32 $0xD0000000, s2;
	s6 =	simm.s32 $0x108;
	_ =	swait.ge @!p0 [sflag:s8], $0x0  }
0x24: {  	s3 =	sadd.s32 $0x88, s3;
	s6 =	simm.s32 @!p1 $0x1082;
	[sflag:s4] =	ssyncset.s32 $0xFFFFF086  }
0x25: {  	[simem:s6], [sflag:s4] =	dma.local [hbm:s3], $0xF7A  }
0x26: {  	[smem:$0x3F9F] =	sst s1;
	(tag) =	ssettag s2;
	_ =	strace s9  }
0x27: {  	s1 =	sld [smem:$0x3FAF]  }
0x28: {  	s2 =	sld [smem:$0x3FB0]  }
0x29: {  	s4 =	sld [smem:$0x3FB2]  }
0x2a: {  	p0 =	seq.s32 s5, $0x0;
	s5 =	sld [smem:$0x3FB3]  }
0x2b: {  	s6 =	sld [smem:$0x3FB4]  }
0x2c: {  	s7 =	sld [smem:$0x3FB5]  }
0x2d: {  	s3 =	simm.s32 $0x108;
	s8 =	sld [smem:$0x3FB6]  }
0x2e: {  	s3 =	simm.s32 @!p0 $0x1082;
	s9 =	sld [smem:$0x3FB7]  }
0x2f: {  	lr =	sadd.s32 s0, s3;
	s0 =	sld [smem:$0x3FAE]  }
0x30: {  	s3 =	sld [smem:$0x3FB1]  }
0x31: {  	[smem:$0x3FBA] =	sst s10  }
0x32: {  	s10 =	sld [smem:$0x3FB8];
	_ =	sdelay $0x3  }
0x33: {  	p0 =	seq.s32 s10, $0x1;
	s10 =	sld [smem:$0x3FBA];
	_ =	sdelay $0x3  }
0x34: {  	[smem:$0x3FBA] =	sst s10  }
0x35: {  	s10 =	sld [smem:$0x3FB9];
	_ =	sdelay $0x3  }
0x36: {  	p1 =	seq.s32 s10, $0x1;
	s10 =	sld [smem:$0x3FBA];
	_ =	sdelay $0x3  }
0x37: {  	[smem:$0x3FBA] =	sst s10  }
0x38: {  	s10 =	sld [smem:$0x3FBB]  }
0x39: {  	_ = 	snop;
	(pc) =	sbr.ind lr, $3  }
0x3a: {  	_ = 	snop  }
0x3b: {  	_ = 	snop  }
0x3c: {  	p2 =	seq.s32 s10, $0x1;
	s10 =	sld [smem:$0x3FBA]  }
0x3d: {  	_ =	shalt  }
0x3e: {  	_ =	shalt  }
0x3f: {  	_ =	shalt  }
0x40: {  	_ =	shalt  }
0x41: {  	_ =	shalt  }
0x42: {  	_ =	shalt  }
0x43: {  	_ =	shalt  }
0x44: {  	_ =	shalt  }
0x45: {  	_ =	shalt  }
0x46: {  	_ =	shalt  }
0x47: {  	_ =	shalt  }
0x48: {  	_ =	shalt  }
0x49: {  	_ =	shalt  }
0x4a: {  	_ =	shalt  }
0x4b: {  	_ =	shalt  }
0x4c: {  	_ =	shalt  }
0x4d: {  	_ =	shalt  }
0x4e: {  	_ =	shalt  }
0x4f: {  	_ =	shalt  }
0x50: {  	_ =	shalt  }
0x51: {  	_ =	shalt  }
0x52: {  	_ =	shalt  }
0x53: {  	_ =	shalt  }
0x54: {  	_ =	shalt  }
0x55: {  	_ =	shalt  }
0x56: {  	_ =	shalt  }
0x57: {  	_ =	shalt  }
0x58: {  	_ =	shalt  }
0x59: {  	_ =	shalt  }
0x5a: {  	_ =	shalt  }
0x5b: {  	_ =	shalt  }
0x5c: {  	_ =	shalt  }
0x5d: {  	_ =	shalt  }
0x5e: {  	_ =	shalt  }
0x5f: {  	_ =	shalt  }
0x60: {  	_ =	shalt  }
0x61: {  	_ =	shalt  }
0x62: {  	_ =	shalt  }
0x63: {  	_ =	shalt  }
0x64: {  	_ =	shalt  }
0x65: {  	_ =	shalt  }
0x66: {  	_ =	shalt  }
0x67: {  	_ =	shalt  }
0x68: {  	_ =	shalt  }
0x69: {  	_ =	shalt  }
0x6a: {  	_ =	shalt  }
0x6b: {  	_ =	shalt  }
0x6c: {  	_ =	shalt  }
0x6d: {  	_ =	shalt  }
0x6e: {  	_ =	shalt  }
0x6f: {  	_ =	shalt  }
0x70: {  	_ =	shalt  }
0x71: {  	_ =	shalt  }
0x72: {  	_ =	shalt  }
0x73: {  	_ =	shalt  }
0x74: {  	_ =	shalt  }
0x75: {  	_ =	shalt  }
0x76: {  	_ =	shalt  }
0x77: {  	_ =	shalt  }
0x78: {  	_ =	shalt  }
0x79: {  	_ =	shalt  }
0x7a: {  	_ =	shalt  }
0x7b: {  	_ =	shalt  }
0x7c: {  	_ =	shalt  }
0x7d: {  	_ =	shalt  }
0x7e: {  	_ =	shalt  }
0x7f: {  	_ =	shalt  }
0x80: {  	_ =	shalt  }
0x81: {  	_ =	shalt  }
0x82: {  	_ =	shalt  }
0x83: {  	_ =	shalt  }
0x84: {  	_ =	shalt  }
0x85: {  	_ =	shalt  }
0x86: {  	_ =	shalt  }
0x87: {  	_ =	shalt  }
.Lfunc_end0:
.L_simem_size_0:
called_computation.1_lowered:
.L_overlay_start_0:
0x88: {  	s2 =	sld [smem:$0x3FD9]  }
0x89: {  	s3 =	sld [smem:$0x3FFE];
	_ =	sdelay $0x1  }
0x8a: {  	s1 =	srdreg.scid  }
0x8b: {  	s0 =	sand.u32 $0x1, s1  }
0x8c: {  	s17 =	sshll.u32 s0, $0xA;
	s2 =	sadd.s32 s3, s2  }
0x8d: {  	s2 =	sadd.s32 s2, s17  }
0x8e: {  	[smem:$0x3FC6] =	sst s2  }
0x8f: {  	_ = 	snop  }
0x90: {  	s2 =	sld [smem:$0x3FD0];
	(tm) =	ssettm $0x1  }
0x91: {  	s18 =	sld [smem:$0x3FFB];
	_ =	sdelay $0x3  }
0x92: {  	_ =	strace s18  }
0x93: {  	s3 =	sld [smem:$0x3FFC];
	_ =	sdelay $0x3  }
0x94: {  	_ =	strace s3  }
0x95: {  	s3 =	sld [smem:$0x3FFD];
	_ =	sdelay $0x3  }
0x96: {  	_ =	strace s3  }
0x97: {  	_ =	strace $0x8FFFFFFF  }
0x98: {  	s19 =	sld [smem:$0x3FDB];
	_ =	sdelay $0x1  }
0x99: {  	s4 =	simm.s32 $_scs_section_size  }
0x9a: {  	s5 =	simm.s32 $_size__tile_overlayer_lowered;
	s6 =	simm.s32 $_tile_overlayer_lowered  }
0x9b: {  	s22 =	simm.s32 $0x1BFF;
	s21 =	sshll.u32 s6, $0x1;
	s3 =	sadd.s32 s4, s19  }
0x9c: {  	s7 =	simm.s32 $0x0;
	s20 =	sshll.u32 s5, $0x1;
	s5 =	sadd.s32 s21, s3  }
0x9d: {  	[timem:s7], [sflag:s22] =	dma.local [hbm:s5], s20  }
0x9e: {  	_ =	swait.ge [sflag:s22], s20  }
0x9f: {  	s4 =	ssub.s32 $0x0, s20;
	[sflag:s22] =	ssyncset.done $0x0  }
0xa0: {  	[sflag:s22] =	ssyncadd.s32 s4;
	_ =	sdelay $0x1  }
0xa1: {  	s23 =	simm.s32 $0x1B8B  }
0xa2: {  	_ =	swait.ge [sflag:s23], $0x1  }
0xa3: {  	[sflag:s23] =	ssyncset.done $0x0  }
0xa4: {  	s25 =	simm.s32 $0x1B8E;
	s24 =	sld [smem:$0x3FFE];
	[sflag:s23] =	ssyncadd.s32 $0xFFFFFFFF  }
0xa5: {  	s26 =	simm.s32 $execute0_lowered;
	[smem:$0x3FD2] =	sst s25  }
0xa6: {  	s5 =	sshll.u32 s26, $0x1;
	_ =	strace $0x80000046;
	[dreg:$0x1] =	wrdreg $0xFFFFFFFF  }
0xa7: {  	s28 =	simm.s32 $_size_execute0_lowered;
	s3 =	sadd.s32 s3, s5;
	[dreg:$0x0] =	wrdreg $0x0  }
0xa8: {  	s5 =	sshll.u32 s28, $0x1;
	[dreg:$0x2] =	wrdreg s3  }
0xa9: {  	[dreg:$0x3] =	wrdreg s5  }
0xaa: {  	[dreg:$0x4] =	wrdreg $0xC0  }
0xab: {  	_ =	task [dreg:s7], $0x5FFFF  }
0xac: {  	[dreg:$0x1] =	wrdreg $0xFFFFFFFF  }
0xad: {  	[dreg:$0x0] =	wrdreg $0x60  }
0xae: {  	[dreg:$0x2] =	wrdreg s24  }
0xaf: {  	[dreg:$0x3] =	wrdreg s2  }
0xb0: {  	[dreg:$0x4] =	wrdreg $0x9  }
0xb1: {  	_ =	task.clear_ibuf [dreg:s7], $0x5FFFF;
	_ =	strace $0x90000046  }
0xb2: {  	s29 =	simm.s32 $0x9;
	_ =	strace $0x80000048  }
0xb3: {  	_ =	swait.ge [sflag:s29], $0x1  }
0xb4: {  	[sflag:s29] =	ssyncadd.s32 $0xFFFFFFFF  }
0xb5: {  	_ =	strace $0x90000048  }
0xb6: {  	_ =	sfence  }
0xb7: {  	s30 =	sld [smem:$0x0];
	_ =	sdelay $0x2  }
0xb8: {  	s31 =	sshll.u32 s1, $0xD;
	s1 =	sshrl.u32 s1, $0x2  }
0xb9: {  	s3 =	sand.u32 $0x4000, s31;
	s1 =	sadd.s32 s1, s30  }
0xba: {  	s0 =	sor.u32 s3, s0;
	s1 =	sshll.u32 s1, $0x11  }
0xbb: {  	s0 =	sor.u32 s1, s0  }
0xbc: {  	s0 =	sadd.s32 $0x8F2B, s0  }
0xbd: {  	[sflag:s0] =	ssyncadd.remote.s32 $0x1  }
0xbe: {  	_ =	sfence.sel $0xFFFF  }
0xbf: {  	[dreg:$0x0] =	wrdreg $0xFFFFFFFF;
	(pc) =	sbr.abs _section_cstart, $3  }
0xc0: {  	[dreg:$0x1] =	wrdreg $0xFFFFFFFF  }
0xc1: {  	_ =	task.clear_ibuf [dreg:s7], $0x2FFFF;
	_ =	strace $0x9FFFFFFF  }
0xc2: {  	(tm) =	ssettm $0x7FFFFFFF  }
0xc3: {  	_ =	shalt  }
tec
execute0_lowered:
.L_overlay_start_1:
0x0: {  	(tag) =	ssettag $0x1  }
0x1: {  	s4 =	rddreg [dreg:$0x0];
	s1 =	srdreg.scid  }
0x2: {  	s0 =	stileid.u32;
	s5 =	rddreg [dreg:$0x1];
	s2 =	simm.s32 $0x0  }
0x3: {  	s13 =	simm.s32 $0xC8;
	s14 =	simm.s32 $0x9600;
	s15 =	simm.s32 $0x148  }
0x4: {  	s16 =	simm.s32 $0xB600;
	s17 =	simm.s32 $0x1;
	s18 =	simm.s32 $0x40  }
0x5: {  	s19 =	simm.s32 $0x3;
	s20 =	simm.s32 $0x4;
	s21 =	simm.s32 $0x5  }
0x6: {  	s22 =	simm.s32 $0x6;
	s23 =	simm.s32 $0x7;
	s24 =	simm.s32 $0x8  }
0x7: {  	s25 =	simm.s32 $0x0;
	s6 =	sand.u32 $0x1, s1;
	s8 =	smul.u32 $0xC800, s0  }
0x8: {  	s3 =	sshll.u32 s0, $0x1;
	[smem:$0x7FF] =	sst s2;
	s11 =	smul.u32 $0xC8000, s0  }
0x9: {  	s10 =	sadd.s32 $0xA00, s4;
	s3 =	sor.u32 s6, s3;
	s9 =	smul.u32 $0x6400, s6  }
0xa: {  	_ =	strace $0x80000047;
	s29 =	ssub.s32 $0x2, s6;
	s6 =	smul.u32 $0x64000, s6  }
0xb: {  	s7 =	smul.u32 $0xC80, s3;
	s3 =	sadd.s32 $0xF42E00, s4;
	s12 =	sshrl.u32 s29, $0x1  }
.Ltmp0:
0xc: {  	s11 =	sadd.s32 s11, s10;
	s8 =	sadd.s32 s9, s8;
	(pc) =	sbr.rel .LBB2_1-.Ltmp0, $4  }
0xd: {  	s30 =	ssub.s32 s29, s12;
	s6 =	sadd.s32 s6, s11;
	s9 =	simm.s32 $0x80  }
0xe: {  	s11 =	simm.s32 $0x48;
	s8 =	sshll.u32 s8, $0x4;
	s4 =	sadd.s32 s5, s7  }
0xf: {  	s5 =	smax.u32 s30, $0x1;
	s6 =	sadd.s32 $0x1480, s6;
	s31 =	sadd.s32 s8, s10  }
0x10: {  	s8 =	simm.s32 $0x9;
	s10 =	simm.s32 $0x6400;
	s7 =	sadd.s32 $0xC80, s31  }
.LBB2_3:
0x11: {  	_ =	swait.ge [sflag:s20], $0x1200  }
0x12: {  	[sflag:s20] =	ssyncset.done $0x0  }
0x13: {  	[sflag:s20] =	ssyncadd.s32 $0xFFFFEE00  }
0x14: {  	[hbm4b:s26+s18] =	stream.strided.scatter [tilespmem:s16], [sflag:$0x8], $0x1200, s9, s18, $0x38;
	[tilespmem:$0xC800] =	vst v63  }
.LBB2_5:
0x15: {  	_ =	swait.ge [sflag:s21], $0x2000  }
0x16: {  	[sflag:s21] =	ssyncset.done $0x0  }
0x17: {  	[sflag:s21] =	ssyncadd.s32 $0xFFFFE000  }
0x18: {  	_ =	swait.ge [sflag:s22], $0x1200  }
0x19: {  	[sflag:s22] =	ssyncset.done $0x0  }
0x1a: {  	s25 =	sadd.s32 $0x1, s25;
	[sflag:s22] =	ssyncadd.s32 $0xFFFFEE00  }
0x1b: {  	p0 =	sne.s32 s25, s5;
	_ =	swait.ge [sflag:s23], $0x2000  }
.Ltmp1:
0x1c: {  	[sflag:s23] =	ssyncset.done $0x0;
	(pc) =	sbr.rel @!p0 .LBB2_6-.Ltmp1, $4  }
0x1d: {  	[sflag:s23] =	ssyncadd.s32 $0xFFFFE000  }
0x1e: {  	_ =	swait.ge [sflag:s24], $0x1200  }
0x1f: {  	[sflag:s24] =	ssyncset.done $0x0  }
0x20: {  	[sflag:s24] =	ssyncadd.s32 $0xFFFFEE00  }
.LBB2_1:
0x21: {  	[tilespmem:s2], [sflag:$0x9] =	stream.linear.gather [hbm4b:s4+s2], $0x6400, $0x38;
	[tilespmem:$0xC800] =	vst v63  }
0x22: {  	_ =	swait.ge [sflag:s8], $0x6400  }
0x23: {  	[sflag:s8] =	ssyncset.done $0x0  }
0x24: {  	[sflag:s8] =	ssyncadd.s32 $0xFFFF9C00  }
0x25: {  	[tilespmem:s10], [sflag:$0x1] =	stream.indirect.gather [hbm4b:s3+s9], $0x40, s2, s9, $0xb8;
	[tilespmem:$0xC800] =	vst v63  }
0x26: {  	s0 =	simm.s32 $0x8400  }
0x27: {  	[tilespmem:s0], [sflag:$0x2] =	stream.indirect.gather [hbm4b:s3+s11], $0x40, s9, s11, $0xb8;
	[tilespmem:$0xC800] =	vst v63  }
0x28: {  	_ = 	snop  }
0x29: {  	[tilespmem:s14], [sflag:$0x3] =	stream.indirect.gather [hbm4b:s3+s9], $0x40, s13, s9, $0xb8;
	[tilespmem:$0xC800] =	vst v63  }
0x2a: {  	s28 =	smov.u32 s7;
	s26 =	smov.u32 s6;
	s29 =	simm.s32 $0x0  }
0x2b: {  	[tilespmem:s16], [sflag:$0x4] =	stream.indirect.gather [hbm4b:s3+s11], $0x40, s15, s11, $0xb8;
	[tilespmem:$0xC800] =	vst v63  }
.LBB2_2:
0x2c: {  	_ =	swait.ge [sflag:s17], $0x2000  }
0x2d: {  	[sflag:s17] =	ssyncset.done $0x0  }
0x2e: {  	s30 =	sadd.s32 $0xFFFFEB80, s26;
	p0 =	seq.s32 s29, $0x189C0;
	[sflag:s17] =	ssyncadd.s32 $0xFFFFE000  }
0x2f: {  	[hbm4b:s30+s18] =	stream.strided.scatter [tilespmem:s10], [sflag:$0x5], $0x2000, s9, s18, $0x38;
	[tilespmem:$0xC800] =	vst v63  }
0x30: {  	s30 =	simm.s32 @p0 $0x2  }
0x31: {  	_ =	swait.ge @p0 [sflag:s30], $0x1200  }
0x32: {  	s31 =	simm.s32 @p0 $0x40;
	s1 =	simm.s32 @p0 $0x80;
	[sflag:s30] =	ssyncset.done @p0 $0x0  }
0x33: {  	s0 =	simm.s32 @p0 $0x8400;
	[sflag:s30] =	ssyncadd.s32 @p0 $0xFFFFEE00;
	s30 =	sadd.s32 @p0 $0xFFFFF380, s26  }
0x34: {  	[hbm4b:s30+s31] =	stream.strided.scatter @p0 [tilespmem:s0], [sflag:$0x6], $0x1200, s1, s31, $0x38;
	[tilespmem:$0xC800] =	vst v63  }
0x35: {  	s0 =	simm.s32 @!p0 $0x5  }
0x36: {  	_ =	swait.ge @!p0 [sflag:s0], $0x2000  }
0x37: {  	[sflag:s0] =	ssyncset.done @!p0 $0x0  }
0x38: {  	[sflag:s0] =	ssyncadd.s32 @!p0 $0xFFFFE000;
	s0 =	sshra.s32 @!p0 s29, $0x2  }
0x39: {  	s30 =	simm.s32 @!p0 $0x80;
	s31 =	simm.s32 @!p0 $0x6400;
	s1 =	sadd.s32 @!p0 $0x190, s0  }
0x3a: {  	[tilespmem:s31], [sflag:$0x1] =	stream.indirect.gather @!p0 [hbm4b:s3+s30], $0x40, s1, s30, $0xb8;
	[tilespmem:$0xC800] =	vst v63  }
0x3b: {  	s1 =	simm.s32 @!p0 $0x2  }
0x3c: {  	_ =	swait.ge @!p0 [sflag:s1], $0x1200  }
0x3d: {  	s12 =	simm.s32 @!p0 $0x8400;
	[sflag:s1] =	ssyncset.done @!p0 $0x0  }
0x3e: {  	s31 =	simm.s32 @!p0 $0x40;
	[sflag:s1] =	ssyncadd.s32 @!p0 $0xFFFFEE00;
	s1 =	sadd.s32 @!p0 $0xFFFFF380, s26  }
0x3f: {  	[hbm4b:s1+s31] =	stream.strided.scatter @!p0 [tilespmem:s12], [sflag:$0x6], $0x1200, s30, s31, $0x38;
	[tilespmem:$0xC800] =	vst v63  }
0x40: {  	s1 =	simm.s32 @!p0 $0x6  }
0x41: {  	_ =	swait.ge @!p0 [sflag:s1], $0x1200  }
0x42: {  	[sflag:s1] =	ssyncset.done @!p0 $0x0  }
0x43: {  	s0 =	sadd.s32 @!p0 $0x210, s0;
	[sflag:s1] =	ssyncadd.s32 @!p0 $0xFFFFEE00;
	s1 =	simm.s32 @!p0 $0x48  }
0x44: {  	[tilespmem:s12], [sflag:$0x2] =	stream.indirect.gather @!p0 [hbm4b:s3+s1], $0x40, s0, s1, $0xb8;
	[tilespmem:$0xC800] =	vst v63  }
0x45: {  	p0 =	sne.s32 s29, $0x189C0  }
.Ltmp2:
0x46: {  	_ = 	snop;
	(pc) =	sbr.rel @!p0 .LBB2_3-.Ltmp2, $4  }
0x47: {  	_ =	swait.ge [sflag:s19], $0x2000  }
0x48: {  	[sflag:s19] =	ssyncset.done $0x0  }
0x49: {  	[sflag:s19] =	ssyncadd.s32 $0xFFFFE000  }
0x4a: {  	[hbm4b:s28+s18] =	stream.strided.scatter [tilespmem:s14], [sflag:$0x7], $0x2000, s9, s18, $0x38;
	[tilespmem:$0xC800] =	vst v63  }
0x4b: {  	_ =	swait.ge [sflag:s23], $0x2000  }
0x4c: {  	s0 =	sshra.s32 s29, $0x2;
	[sflag:s23] =	ssyncset.done $0x0  }
0x4d: {  	s1 =	sadd.s32 $0x258, s0;
	[sflag:s23] =	ssyncadd.s32 $0xFFFFE000  }
0x4e: {  	[tilespmem:s14], [sflag:$0x3] =	stream.indirect.gather [hbm4b:s3+s9], $0x40, s1, s9, $0xb8;
	[tilespmem:$0xC800] =	vst v63  }
0x4f: {  	_ =	swait.ge [sflag:s20], $0x1200  }
0x50: {  	s29 =	sadd.s32 $0x640, s29;
	[sflag:s20] =	ssyncset.done $0x0  }
0x51: {  	p0 =	sne.s32 s29, $0x19000;
	[sflag:s20] =	ssyncadd.s32 $0xFFFFEE00  }
0x52: {  	[hbm4b:s26+s18] =	stream.strided.scatter [tilespmem:s16], [sflag:$0x8], $0x1200, s9, s18, $0x38;
	[tilespmem:$0xC800] =	vst v63  }
.Ltmp3:
0x53: {  	_ = 	snop;
	(pc) =	sbr.rel @p0 .LBB2_2-.Ltmp3, $4  }
.Ltmp4:
0x54: {  	_ =	swait.ge [sflag:s24], $0x1200;
	(pc) =	sbr.rel @!p0 .LBB2_5-.Ltmp4, $4  }
0x55: {  	s28 =	sadd.s32 $0x1900, s28;
	[sflag:s24] =	ssyncset.done $0x0  }
0x56: {  	s0 =	sadd.s32 $0x2D8, s0;
	s26 =	sadd.s32 $0x1900, s26;
	[sflag:s24] =	ssyncadd.s32 $0xFFFFEE00  }
0x57: {  	[tilespmem:s16], [sflag:$0x4] =	stream.indirect.gather [hbm4b:s3+s11], $0x40, s0, s11, $0xb8;
	[tilespmem:$0xC800] =	vst v63  }
0x58: {  	_ = 	snop  }
.LBB2_6:
0x59: {  	_ =	sfence.sel $0x180000  }
0x5a: {  	[bflag:$0x0] =	sbarrier.arrive $0xFFFF  }
0x5b: {  	_ =	strace $0x90000047  }
0x5c: {  	s0 =	stileid.u32;
	[bflag:$0x2] =	sbarrier.arrive $0xFFFF  }
0x5d: {  	p0 =	sne.s32 s0, $0x0;
	s0 =	rddreg [dreg:$0x2]  }
0x5e: {  	s0 =	sadd.s32 @!p0 $0x100000, s0  }
0x5f: {  	[sflag:s0] =	ssyncadd.tile.s32 @!p0 $0x1;
	_ =	shalt  }
.Lfunc_end2:
_tile_overlayer_lowered:
.L_overlay_start_2:
0x60: {  	(tag) =	ssettag $0x2  }
0x61: {  	s0 =	rddreg [dreg:$0x0];
	s2 =	stileid.u32  }
0x62: {  	s1 =	rddreg [dreg:$0x1];
	p0 =	sne.s32 s2, $0x0  }
0x63: {  	s3 =	rddreg [dreg:$0x2];
	[bflag:$0x3] =	sbarrier.arrive $0xFFFF;
	s2 =	simm.s32 @!p0 $0x1C09  }
0x64: {  	[timem:s3], [sflag:s2] =	dma.local @!p0 [hbm:s0], s1  }
0x65: {  	s0 =	simm.s32 @!p0 $0x9  }
0x66: {  	_ =	swait.ge @!p0 [sflag:s0], s1  }
0x67: {  	s1 =	ssub.s32 @!p0 $0x0, s1;
	[sflag:s0] =	ssyncset.done @!p0 $0x0  }
0x68: {  	[sflag:s0] =	ssyncadd.s32 @!p0 s1  }
0x69: {  	[bflag:$0x3] =	sbarrier.arrive $0xFFFF  }
0x6a: {  	_ =	shalt  }

// kernel: sparse-core-data-format-call.cloned.1.call-start
scs
called_computation_lowered:
.L_overlay_start_0:
0x0: {  	s2 =	sld [smem:$0x3FD9]  }
0x1: {  	s3 =	sld [smem:$0x3FFE];
	_ =	sdelay $0x1  }
0x2: {  	s1 =	srdreg.scid  }
0x3: {  	s0 =	sand.u32 $0x1, s1  }
0x4: {  	s18 =	sshll.u32 s0, $0xA;
	s2 =	sadd.s32 s3, s2  }
0x5: {  	s2 =	sadd.s32 s2, s18  }
0x6: {  	[smem:$0x3FC6] =	sst s2  }
0x7: {  	_ = 	snop  }
0x8: {  	s2 =	sld [smem:$0x3FD0];
	(tm) =	ssettm $0x1  }
0x9: {  	s19 =	sld [smem:$0x3FFB];
	_ =	sdelay $0x3  }
0xa: {  	_ =	strace s19  }
0xb: {  	s3 =	sld [smem:$0x3FFC];
	_ =	sdelay $0x3  }
0xc: {  	_ =	strace s3  }
0xd: {  	s3 =	sld [smem:$0x3FFD];
	_ =	sdelay $0x3  }
0xe: {  	_ =	strace s3  }
0xf: {  	_ =	strace $0x8FFFFFFF  }
0x10: {  	s20 =	sld [smem:$0x3FDB];
	_ =	sdelay $0x1  }
0x11: {  	s4 =	simm.s32 $_scs_section_size  }
0x12: {  	s5 =	simm.s32 $_size__tile_overlayer_lowered;
	s6 =	simm.s32 $_tile_overlayer_lowered  }
0x13: {  	s23 =	simm.s32 $0x1BFF;
	s22 =	sshll.u32 s6, $0x1;
	s3 =	sadd.s32 s4, s20  }
0x14: {  	s7 =	simm.s32 $0x0;
	s21 =	sshll.u32 s5, $0x1;
	s5 =	sadd.s32 s22, s3  }
0x15: {  	[timem:s7], [sflag:s23] =	dma.local [hbm:s5], s21  }
0x16: {  	_ =	swait.ge [sflag:s23], s21  }
0x17: {  	s4 =	ssub.s32 $0x0, s21;
	[sflag:s23] =	ssyncset.done $0x0  }
0x18: {  	[sflag:s23] =	ssyncadd.s32 s4;
	_ =	sdelay $0x1  }
0x19: {  	s24 =	simm.s32 $0x1B8B  }
0x1a: {  	_ =	swait.ge [sflag:s24], $0x1  }
0x1b: {  	[sflag:s24] =	ssyncset.done $0x0  }
0x1c: {  	s26 =	simm.s32 $0x1B8E;
	s25 =	sld [smem:$0x3FFE];
	[sflag:s24] =	ssyncadd.s32 $0xFFFFFFFF  }
0x1d: {  	s27 =	simm.s32 $execute0_lowered;
	[smem:$0x3FD2] =	sst s26  }
0x1e: {  	s5 =	sshll.u32 s27, $0x1;
	_ =	strace $0x80000049;
	[dreg:$0x1] =	wrdreg $0xFFFFFFFF  }
0x1f: {  	s28 =	simm.s32 $_size_execute0_lowered;
	s3 =	sadd.s32 s3, s5;
	[dreg:$0x0] =	wrdreg $0x0  }
0x20: {  	s5 =	sshll.u32 s28, $0x1;
	[dreg:$0x2] =	wrdreg s3  }
0x21: {  	[dreg:$0x3] =	wrdreg s5  }
0x22: {  	[dreg:$0x4] =	wrdreg $0xC0  }
0x23: {  	_ =	task [dreg:s7], $0x5FFFF  }
0x24: {  	[dreg:$0x1] =	wrdreg $0xFFFFFFFF  }
0x25: {  	[dreg:$0x0] =	wrdreg $0x60  }
0x26: {  	[dreg:$0x2] =	wrdreg s25  }
0x27: {  	[dreg:$0x3] =	wrdreg s2  }
0x28: {  	[dreg:$0x4] =	wrdreg $0x9  }
0x29: {  	_ =	task.clear_ibuf [dreg:s7], $0x5FFFF;
	_ =	strace $0x90000049  }
0x2a: {  	s29 =	simm.s32 $0x9;
	_ =	strace $0x8000004B  }
0x2b: {  	_ =	swait.ge [sflag:s29], $0x1  }
0x2c: {  	[sflag:s29] =	ssyncadd.s32 $0xFFFFFFFF  }
0x2d: {  	_ =	strace $0x9000004B  }
0x2e: {  	_ =	sfence  }
0x2f: {  	s30 =	sld [smem:$0x0];
	_ =	sdelay $0x2  }
0x30: {  	s31 =	sshll.u32 s1, $0xD;
	s1 =	sshrl.u32 s1, $0x2  }
0x31: {  	s3 =	sand.u32 $0x4000, s31;
	s1 =	sadd.s32 s1, s30  }
0x32: {  	s0 =	sor.u32 s3, s0;
	s1 =	sshll.u32 s1, $0x11  }
0x33: {  	s0 =	sor.u32 s1, s0  }
0x34: {  	s0 =	sadd.s32 $0x8F2B, s0  }
0x35: {  	[sflag:s0] =	ssyncadd.remote.s32 $0x1  }
0x36: {  	_ =	sfence.sel $0xFFFF  }
0x37: {  	[dreg:$0x0] =	wrdreg $0xFFFFFFFF;
	(pc) =	sbr.abs _section_cstart, $3  }
0x38: {  	[dreg:$0x1] =	wrdreg $0xFFFFFFFF  }
0x39: {  	_ =	task.clear_ibuf [dreg:s7], $0x2FFFF;
	_ =	strace $0x9FFFFFFF  }
0x3a: {  	(tm) =	ssettm $0x7FFFFFFF  }
0x3b: {  	_ =	shalt  }
tec
execute0_lowered:
.L_overlay_start_1:
0x0: {  	(tag) =	ssettag $0x1  }
0x1: {  	s0 =	srdreg.scid  }
0x2: {  	s1 =	sshll.u32 s0, $0x4  }
0x3: {  	s0 =	stileid.u32;
	s1 =	sand.u32 $0x10, s1  }
0x4: {  	s1 =	sor.u32 s0, s1  }
0x5: {  	s6 =	rddreg [dreg:$0x0];
	s4 =	simm.s32 $0x1;
	s2 =	sshll.u32 s1, $0x7  }
0x6: {  	s7 =	simm.s32 $0x2;
	s12 =	simm.s32 $0x0;
	s1 =	ssub.s32 $0x1000, s2  }
0x7: {  	s8 =	simm.s32 $0x8000;
	s13 =	simm.s32 $0x0;
	s3 =	sand.u32 $0xF80, s1  }
0x8: {  	s9 =	simm.s32 $0x0;
	s5 =	sshrl.u32 s1, $0xC;
	p0 =	sne.s32 s3, $0x0  }
.Ltmp0:
0x9: {  	s1 =	rddreg [dreg:$0x2];
	s4 =	simm.s32 @!p0 $0x0;
	(pc) =	sbr.rel .LBB1_1-.Ltmp0, $4  }
0xa: {  	s11 =	simm.s32 $0x0;
	s3 =	rddreg [dreg:$0x1];
	s5 =	sadd.s32 s4, s5  }
0xb: {  	_ =	strace $0x8000004A;
	s4 =	simm.s32 $0x1;
	s5 =	smul.u32 $0xC8, s5  }
0xc: {  	s6 =	sadd.s32 $0xA00, s6;
	s10 =	smov.u32 s2;
	[sflag:s4] =	ssyncpa.u1 $0x0  }
0xd: {  	p0 =	por $0x0, $0x0;
	[sflag:s7] =	ssyncpa.u1 $0x0;
	s7 =	sor.u32 $0x1, s5  }
.LBB1_4:
0xe: {  	s16 =	sshll.u32 s13, $0x3;
	s17 =	sand.u32 $0x78, s13  }
0xf: {  	s30 =	sand.u32 $0x7E00, s13;
	s12 =	sshll.u32 s12, $0xF;
	s16 =	sand.u32 $0xC00, s16  }
0x10: {  	[tilespmem:s15+$0x810 ss:$0x81] =	vst.msk $0xffff, v2;
	s31 =	sand.u32 $0x7, s13;
	s16 =	sor.u32 s17, s16;
	s17 =	sadd.s32 s3, s30  }
0x11: {  	[tilespmem:s15+$0x1020 ss:$0x81] =	vst.msk $0xffff, v0;
	s13 =	sshll.u32 s31, $0x12;
	s12 =	sadd.s32 s12, s17;
	s16 =	sshrl.u32 s16, $0x3  }
0x12: {  	[tilespmem:s15+$0x0 ss:$0x81] =	vst.msk $0xffff, v1;
	s13 =	sor.u32 $0x400, s13;
	s12 =	sadd.s32 s16, s12  }
0x13: {  	[hbm4b:s12+s13] =	stream.strided.scatter [tilespmem:s14], [sflag:$0x2], $0x2000, s8, s13, $0x20;
	[tilespmem:$0x8080] =	vst v63  }
.LBB1_5:
0x14: {  	s14 =	sadd.s32 $0x1, s9  }
0x15: {  	s12 =	sadd.s32 $0x1000, s10;
	s16 =	smov.u32 s10;
	p2 =	sgt.s32 s14, $0xC7  }
0x16: {  	s16 =	smov.u32 @p2 s12  }
0x17: {  	s14 =	simm.s32 @p2 $0x0;
	p2 =	sgt.s32 s16, $0xFFF  }
0x18: {  	s16 =	smov.u32 @p2 s2;
	p2 =	sne.s32 s11, s7  }
.Ltmp1:
0x19: {  	p1 =	slt.u32 s11, $0x2;
	(pc) =	sbr.rel @!p2 .LBB1_6-.Ltmp1, $4  }
0x1a: {  	s15 =	simm.s32 @!p1 $0x2  }
0x1b: {  	s13 =	smov.u32 s10;
	p0 =	por !p0, !p0;
	_ =	swait.ge @!p1 [sflag:s15], $0x2000  }
0x1c: {  	s12 =	smov.u32 s9;
	[sflag:s15] =	ssyncset.done @!p1 $0x0;
	s9 =	smov.u32 s14  }
0x1d: {  	s11 =	sadd.s32 $0x1, s11;
	[sflag:s15] =	ssyncadd.s32 @!p1 $0xFFFFE000;
	s10 =	smov.u32 s16  }
.LBB1_1:
0x1e: {  	p1 =	sge.u32 s11, s5  }
0x1f: {  	s14 =	sand.u32 @!p1 $0x1FFFFFF, s9  }
0x20: {  	s15 =	smulhi.u32 @!p1 $0x147AE15, s14;
	_ =	sdelay $0x1  }
0x21: {  	s15 =	smul.u32 @!p1 $0xC8, s15  }
0x22: {  	s16 =	sxor.u32 @!p1 $0xFFFFFFFF, s11;
	s17 =	smul.u32 @!p1 $0xC80, s10  }
0x23: {  	s31 =	sadd.s32 $0xFFFFFFFF, s11;
	s16 =	sshll.u32 @!p1 s16, $0xD;
	s14 =	ssub.s32 @!p1 s14, s15  }
0x24: {  	s15 =	sand.u32 @!p1 $0x2000, s16;
	s16 =	sadd.s32 @!p1 s6, s17;
	s14 =	sshll.u32 @!p1 s14, $0x4  }
0x25: {  	s17 =	simm.s32 @!p1 $0x6400;
	s14 =	sadd.s32 @!p1 s14, s16;
	s16 =	simm.s32 @!p1 $0x40  }
0x26: {  	[tilespmem:s15], [sflag:$0x1] =	stream.strided.gather @!p1 [hbm4b:s14+s16], $0x2000, s17, s16, $0x38;
	[tilespmem:$0x8080] =	vst v63  }
0x27: {  	p1 =	sge.u32 s31, s5  }
.Ltmp2:
0x28: {  	_ = 	snop;
	(pc) =	sbr.rel @p1 .LBB1_5-.Ltmp2, $1  }
0x29: {  	_ =	sdelay $0x3  }
0x2a: {  	s14 =	simm.s32 $0x1  }
0x2b: {  	_ =	swait.ge [sflag:s4], $0x2000;
	s14 =	simm.s32 @!p0 $0x0  }
0x2c: {  	[sflag:s4] =	ssyncset.done $0x0;
	s15 =	sshll.u32 s14, $0xD  }
0x2d: {  	[sflag:s4] =	ssyncadd.s32 $0xFFFFE000;
	s18 =	sor.u32 $0x20, s15  }
0x2e: {  	s14 =	smul.u32 $0x8100, s14;
	v3 =	vld [tilespmem:s18+$0x10]  }
0x2f: {  	s30 =	sand.u32 $0x1, s11;
	v2 =	vld [tilespmem:s18+$0xFFFFFFF0]  }
0x30: {  	s15 =	smul.u32 $0x8100, s30;
	s14 =	sshrl.u32 s14, $0x2;
	v0 =	vld [tilespmem:s18+$0x0]  }
0x31: {  	v1 =	vld [tilespmem:s18+$0xFFFFFFE0];
	s16 =	sor.u32 $0x4000, s14  }
0x32: {  	s31 =	sshrl.u32 s15, $0x2;
	s15 =	sadd.s32 $0x0, s16  }
0x33: {  	s17 =	simm.s32 $0x4;
	s18 =	sadd.s32 $0x40, s18;
	s14 =	sor.u32 $0x4000, s31;
	[tilespmem:s15+$0x1830 ss:$0x81] =	vst.msk $0xffff, v3  }
.LBB1_3:
0x34: {  	v3 =	vld [tilespmem:s18+$0x10];
	p1 =	sne.s32 s17, $0x1FC;
	[tilespmem:s15+$0x810 ss:$0x81] =	vst.msk $0xffff, v2;
	s19 =	smov.u32 s17;
	s17 =	sadd.s32 $0x4, s17  }
.Ltmp3:
0x35: {  	v2 =	vld [tilespmem:s18+$0xFFFFFFF0];
	[tilespmem:s15+$0x1020 ss:$0x81] =	vst.msk $0xffff, v0;
	(pc) =	sbr.rel @p1 .LBB1_3-.Ltmp3, $4  }
0x36: {  	v0 =	vld [tilespmem:s18+$0x0];
	[tilespmem:s15+$0x0 ss:$0x81] =	vst.msk $0xffff, v1  }
0x37: {  	s15 =	sshra.s32 s19, $0x2;
	v1 =	vld [tilespmem:s18+$0xFFFFFFE0]  }
0x38: {  	s15 =	sadd.s32 s15, s16  }
0x39: {  	s18 =	sadd.s32 $0x40, s18;
	[tilespmem:s15+$0x1830 ss:$0x81] =	vst.msk $0xffff, v3  }
.Ltmp4:
0x3a: {  	_ = 	snop;
	(pc) =	sbr.rel .LBB1_4-.Ltmp4, $1  }
0x3b: {  	_ =	sdelay $0x3  }
.LBB1_6:
0x3c: {  	_ =	sfence.sel $0x180000  }
0x3d: {  	s2 =	simm.s32 $0x1;
	[bflag:$0x0] =	sbarrier.arrive $0xFFFF  }
0x3e: {  	s31 =	simm.s32 $0x2;
	[sflag:s2] =	ssyncpa.u1 $0x1  }
0x3f: {  	[sflag:s31] =	ssyncpa.u1 $0x1  }
0x40: {  	p0 =	sne.s32 s0, $0x0;
	_ =	strace $0x9000004A  }
0x41: {  	s0 =	sadd.s32 @!p0 $0x100000, s1;
	[bflag:$0x2] =	sbarrier.arrive $0xFFFF  }
0x42: {  	[sflag:s0] =	ssyncadd.tile.s32 @!p0 $0x1;
	_ =	shalt  }
.Lfunc_end1:
_tile_overlayer_lowered:
.L_overlay_start_2:
0x43: {  	(tag) =	ssettag $0x2  }
0x44: {  	s0 =	rddreg [dreg:$0x0];
	s2 =	stileid.u32  }
0x45: {  	s1 =	rddreg [dreg:$0x1];
	p0 =	sne.s32 s2, $0x0  }
0x46: {  	s3 =	rddreg [dreg:$0x2];
	[bflag:$0x3] =	sbarrier.arrive $0xFFFF;
	s2 =	simm.s32 @!p0 $0x1C01  }
0x47: {  	[timem:s3], [sflag:s2] =	dma.local @!p0 [hbm:s0], s1  }
0x48: {  	s0 =	simm.s32 @!p0 $0x1  }
0x49: {  	_ =	swait.ge @!p0 [sflag:s0], s1  }
0x4a: {  	s1 =	ssub.s32 @!p0 $0x0, s1;
	[sflag:s0] =	ssyncset.done @!p0 $0x0  }
0x4b: {  	[sflag:s0] =	ssyncadd.s32 @!p0 s1  }
0x4c: {  	[bflag:$0x3] =	sbarrier.arrive $0xFFFF  }
0x4d: {  	_ =	shalt  }

</sc_bundles>
